<compile_context>
chip_gen: v7x
topology: tpu7x:2x2x1
jax: 0.10.2.dev20260603
libtpu: 0.0.44.dev20260713+nightly
codegen_flags: <defaults>
</compile_context>

<pallas_src>
import jax
import jax.numpy as jnp
from jax import lax
from jax.experimental import pallas as pl
from jax.experimental.pallas import tpu as pltpu
from jax.experimental.pallas import tpu_sc as plsc

VOCAB = 1000000
EMBED_DIM = 64
PAD_DIM = 128
BATCH = 16384
HIST = 50

_NC = 2
_NS = 16
_NW = _NC * _NS

_TOTAL = BATCH * HIST
_PER_W = _TOTAL // _NW
_GROUP = 128
_NG = _PER_W // _GROUP
_NBUF = 5
_AHEAD = 4


def _body(idx_hbm, tab_hbm, out_hbm, idx_v,
          rows0, rows1, rows2, rows3, rows4,
          gsem0, gsem1, gsem2, gsem3, gsem4,
          ssem0, ssem1, ssem2, ssem3, ssem4):
    wid = lax.axis_index("s") * _NC + lax.axis_index("c")
    base = wid * _PER_W
    pltpu.sync_copy(idx_hbm.at[pl.ds(base, _PER_W)], idx_v)

    rows = (rows0, rows1, rows2, rows3, rows4)
    gsems = (gsem0, gsem1, gsem2, gsem3, gsem4)
    ssems = (ssem0, ssem1, ssem2, ssem3, ssem4)

    def store_done_wait(slot):
        pltpu.make_async_copy(
            rows[slot].at[:, pl.ds(0, EMBED_DIM)],
            out_hbm.at[pl.ds(base, _GROUP)],
            ssems[slot]).wait()

    def retire(slot, g):
        pltpu.make_async_copy(
            tab_hbm.at[pl.ds(0, _GROUP)], rows[slot], gsems[slot]).wait()
        pltpu.async_copy(
            rows[slot].at[:, pl.ds(0, EMBED_DIM)],
            out_hbm.at[pl.ds(base + g * _GROUP, _GROUP)],
            ssems[slot])

    def step(t, _):
        for slot in range(_NBUF):
            g = t * _NBUF + slot
            @pl.when(t > 0)
            def _():
                store_done_wait(slot)

            pltpu.async_copy(
                tab_hbm.at[idx_v.at[pl.ds(g * _GROUP, _GROUP)]],
                rows[slot], gsems[slot])

            ps = (slot - _AHEAD) % _NBUF
            if slot >= _AHEAD:
                retire(ps, g - _AHEAD)
            else:
                @pl.when(t > 0)
                def _():
                    retire(ps, g - _AHEAD)
        return ()

    lax.fori_loop(0, _NG // _NBUF, step, (), unroll=False)
    for g in range(_NG - _AHEAD, _NG):
        retire(g % _NBUF, g)
    for slot in range(_NBUF):
        store_done_wait(slot)


@jax.jit
def _lookup(idx_flat, tab_padded):
    mesh = plsc.VectorSubcoreMesh(core_axis_name="c", subcore_axis_name="s")
    fn = pl.kernel(
        _body,
        out_type=jax.ShapeDtypeStruct((_TOTAL, EMBED_DIM), jnp.float32),
        mesh=mesh,
        scratch_types=(
            [pltpu.VMEM((_PER_W,), jnp.int32)]
            + [pltpu.VMEM((_GROUP, PAD_DIM), jnp.float32)] * _NBUF
            + [pltpu.SemaphoreType.DMA] * (2 * _NBUF)
        ),
        compiler_params=pltpu.CompilerParams(use_tc_tiling_on_sc=False),
    )
    return fn(idx_flat, tab_padded)


def kernel(input_vec, word_embedding):
    idx_flat = input_vec.reshape(-1).astype(jnp.int32)
    tab_padded = jnp.pad(word_embedding, ((0, 0), (0, PAD_DIM - EMBED_DIM)))
    out = _lookup(idx_flat, tab_padded)
    return out.reshape(BATCH, HIST, EMBED_DIM)

# --- scband reference (transcript-rebuilt; emitter-appended) ---
"""Pipeline reference for scband-embedding-layer-37220186587601 (READ-ONLY COPY).

The authoritative reference and input builder live on the scoring server;
editing this copy changes nothing except your own understanding.
"""

import jax, jax.numpy as jnp
import numpy as np

VOCAB = 1000000
EMBED_DIM = 64
BATCH = 16384
HIST = 50

def setup_inputs(seed: int = 0) -> dict:
    key = jax.random.key(seed)
    k_idx, k_tab = jax.random.split(key)
    input_vec = jax.random.randint(k_idx, (BATCH, HIST), 0, VOCAB, dtype=jnp.int64 if jax.config.jax_enable_x64 else jnp.int32)
    word_embedding = jax.random.normal(k_tab, (VOCAB, EMBED_DIM), dtype=jnp.float32)
    return {"input_vec": input_vec, "word_embedding": word_embedding}

def reference(input_vec, word_embedding):
    # nn.Embedding lookup
    embedded_words = jnp.take(word_embedding, input_vec, axis=0)
    # Dropout in eval mode is identity
    final_embeddings = embedded_words
    return final_embeddings

if __name__ == "__main__":
    import jax
    _d = setup_inputs()
    print(jax.jit(kernel)(*tuple(_d.values())))

</pallas_src>

<mosaic_0001>
#map = affine_map<(d0, d1) -> (0)>
#map1 = affine_map<(d0, d1) -> (0, 0)>
module attributes {stable_mosaic.version = 14 : i64} {
  func.func @_body(%arg0: i32, %arg1: i32, %arg2: memref<819200xi32, #tpu.memory_space<hbm>>, %arg3: memref<1000000x128xf32, #tpu.memory_space<hbm>>, %arg4: memref<819200x64xf32, #tpu.memory_space<hbm>>, %arg5: memref<25600xi32, #tpu.memory_space<vmem>>, %arg6: memref<128x128xf32, #tpu.memory_space<vmem>>, %arg7: memref<128x128xf32, #tpu.memory_space<vmem>>, %arg8: memref<128x128xf32, #tpu.memory_space<vmem>>, %arg9: memref<128x128xf32, #tpu.memory_space<vmem>>, %arg10: memref<128x128xf32, #tpu.memory_space<vmem>>, %arg11: memref<!tpu.dma_semaphore, #tpu.memory_space<semaphore_mem>>, %arg12: memref<!tpu.dma_semaphore, #tpu.memory_space<semaphore_mem>>, %arg13: memref<!tpu.dma_semaphore, #tpu.memory_space<semaphore_mem>>, %arg14: memref<!tpu.dma_semaphore, #tpu.memory_space<semaphore_mem>>, %arg15: memref<!tpu.dma_semaphore, #tpu.memory_space<semaphore_mem>>, %arg16: memref<!tpu.dma_semaphore, #tpu.memory_space<semaphore_mem>>, %arg17: memref<!tpu.dma_semaphore, #tpu.memory_space<semaphore_mem>>, %arg18: memref<!tpu.dma_semaphore, #tpu.memory_space<semaphore_mem>>, %arg19: memref<!tpu.dma_semaphore, #tpu.memory_space<semaphore_mem>>, %arg20: memref<!tpu.dma_semaphore, #tpu.memory_space<semaphore_mem>>) attributes {dimension_semantics = [#tpu.dimension_semantics<core_parallel>, #tpu.dimension_semantics<subcore_parallel>], iteration_bounds = array<i64: 2, 16>, scalar_prefetch = 0 : i64, scratch_operands = 16 : i64, tpu.core_type = #tpu.core_type<sc_vector_subcore>, window_params = [{transform_indices = #map}, {transform_indices = #map1}, {transform_indices = #map1}]} {
    %mul3A = arith.constant 2 : i32
    %mul3A_0 = arith.muli %arg1, %mul3A : i32
    %add3A = arith.addi %mul3A_0, %arg0 : i32
    %mul3A_1 = arith.constant 25600 : i32
    %mul3A_2 = arith.muli %add3A, %mul3A_1 : i32
    "tpu.region"() ({
      %run_scoped3A = tpu.sem_alloc : memref<!tpu.dma_semaphore, #tpu.memory_space<semaphore_mem>>
      %dma_start3A_127 = tpu.memref_slice %arg2[%mul3A_2] : memref<819200xi32, #tpu.memory_space<hbm>> -> memref<25600xi32, #tpu.memory_space<hbm>>
      %dma_start3A_128 = tpu.memref_slice %arg2[%mul3A_2] : memref<819200xi32, #tpu.memory_space<hbm>> -> memref<25600xi32, #tpu.memory_space<hbm>>
      tpu.enqueue_dma source(%dma_start3A_128 : memref<25600xi32, #tpu.memory_space<hbm>>) target(%arg5 : memref<25600xi32, #tpu.memory_space<vmem>>) target_semaphore(%run_scoped3A : memref<!tpu.dma_semaphore, #tpu.memory_space<semaphore_mem>>)
      %dma_wait3A_129 = tpu.memref_slice %arg2[%mul3A_2] : memref<819200xi32, #tpu.memory_space<hbm>> -> memref<25600xi32, #tpu.memory_space<hbm>>
      %dma_wait3A_130 = tpu.memref_slice %arg2[%mul3A_2] : memref<819200xi32, #tpu.memory_space<hbm>> -> memref<25600xi32, #tpu.memory_space<hbm>>
      tpu.wait_dma2 semaphore(%run_scoped3A : memref<!tpu.dma_semaphore, #tpu.memory_space<semaphore_mem>>) src(%dma_wait3A_130 : memref<25600xi32, #tpu.memory_space<hbm>>) dst(%arg5 : memref<25600xi32, #tpu.memory_space<vmem>>)
      tpu.yield
    }) : () -> ()
    %scan3A = arith.constant 0 : i32
    %scan3A_3 = arith.constant 40 : i32
    %scan3A_4 = arith.addi %scan3A, %scan3A_3 : i32
    %scan3A_5 = arith.constant 1 : i32
    scf.for %scan3A_127 = %scan3A to %scan3A_4 step %scan3A_5  : i32 {
      %mul3A_128 = arith.constant 5 : i32
      %mul3A_129 = arith.muli %scan3A_127, %mul3A_128 : i32
      %add3A_130 = arith.constant 0 : i32
      %add3A_131 = arith.addi %mul3A_129, %add3A_130 : i32
      %gt3A = arith.constant 0 : i32
      %gt3A_132 = arith.cmpi sgt, %scan3A_127, %gt3A : i32
      %convert_element_type3A = arith.extui %gt3A_132 : i1 to i32
      %cond3A = arith.constant 0 : i32
      %cond3A_133 = arith.cmpi ne, %convert_element_type3A, %cond3A : i32
      scf.if %cond3A_133 {
        %dma_wait3A_240 = arith.constant 0 : i32
        %dma_wait3A_241 = arith.constant 0 : i32
        %dma_wait3A_242 = tpu.memref_slice %arg6[%dma_wait3A_240, %dma_wait3A_241] : memref<128x128xf32, #tpu.memory_space<vmem>> -> memref<128x64xf32, #tpu.memory_space<vmem>>
        %dma_wait3A_243 = arith.constant 0 : i32
        %dma_wait3A_244 = tpu.memref_slice %arg4[%mul3A_2, %dma_wait3A_243] : memref<819200x64xf32, #tpu.memory_space<hbm>> -> memref<128x64xf32, #tpu.memory_space<hbm>>
        %dma_wait3A_245 = arith.constant 0 : i32
        %dma_wait3A_246 = tpu.memref_slice %arg4[%mul3A_2, %dma_wait3A_245] : memref<819200x64xf32, #tpu.memory_space<hbm>> -> memref<128x64xf32, #tpu.memory_space<hbm>>
        %dma_wait3A_247 = arith.constant 0 : i32
        %dma_wait3A_248 = arith.constant 0 : i32
        %dma_wait3A_249 = tpu.memref_slice %arg6[%dma_wait3A_247, %dma_wait3A_248] : memref<128x128xf32, #tpu.memory_space<vmem>> -> memref<128x64xf32, #tpu.memory_space<vmem>>
        tpu.wait_dma2 semaphore(%arg16 : memref<!tpu.dma_semaphore, #tpu.memory_space<semaphore_mem>>) src(%dma_wait3A_249 : memref<128x64xf32, #tpu.memory_space<vmem>>) dst(%dma_wait3A_246 : memref<128x64xf32, #tpu.memory_space<hbm>>)
      } else {
      }
      %mul3A_134 = arith.constant 128 : i32
      %mul3A_135 = arith.muli %add3A_131, %mul3A_134 : i32
      %dma_start3A_136 = tpu.memref_slice %arg5[%mul3A_135] : memref<25600xi32, #tpu.memory_space<vmem>> -> memref<128xi32, #tpu.memory_space<vmem>>
      %dma_start3A_137 = arith.constant 0 : i32
      %dma_start3A_138 = arith.constant 0 : i32
      %dma_start3A_139 = tpu.memref_slice %arg3[%dma_start3A_137, %dma_start3A_138] : memref<1000000x128xf32, #tpu.memory_space<hbm>> -> memref<1000000x128xf32, #tpu.memory_space<hbm>>
      tpu.enqueue_indirect_dma source(%dma_start3A_139 : memref<1000000x128xf32, #tpu.memory_space<hbm>>) target(%arg6 : memref<128x128xf32, #tpu.memory_space<vmem>>) offsets(%dma_start3A_136 : memref<128xi32, #tpu.memory_space<vmem>>) semaphore(%arg11 : memref<!tpu.dma_semaphore, #tpu.memory_space<semaphore_mem>>)
      %gt3A_140 = arith.constant 0 : i32
      %gt3A_141 = arith.cmpi sgt, %scan3A_127, %gt3A_140 : i32
      %convert_element_type3A_142 = arith.extui %gt3A_141 : i1 to i32
      %cond3A_143 = arith.constant 0 : i32
      %cond3A_144 = arith.cmpi ne, %convert_element_type3A_142, %cond3A_143 : i32
      scf.if %cond3A_144 {
        %sub3A_240 = arith.constant 4 : i32
        %sub3A_241 = arith.subi %add3A_131, %sub3A_240 : i32
        %dma_wait3A_242 = arith.constant 0 : i32
        %dma_wait3A_243 = arith.constant 0 : i32
        %dma_wait3A_244 = tpu.memref_slice %arg3[%dma_wait3A_242, %dma_wait3A_243] : memref<1000000x128xf32, #tpu.memory_space<hbm>> -> memref<128x128xf32, #tpu.memory_space<hbm>>
        %dma_wait3A_245 = arith.constant 0 : i32
        %dma_wait3A_246 = arith.constant 0 : i32
        %dma_wait3A_247 = tpu.memref_slice %arg3[%dma_wait3A_245, %dma_wait3A_246] : memref<1000000x128xf32, #tpu.memory_space<hbm>> -> memref<128x128xf32, #tpu.memory_space<hbm>>
        tpu.wait_dma2 semaphore(%arg12 : memref<!tpu.dma_semaphore, #tpu.memory_space<semaphore_mem>>) src(%dma_wait3A_247 : memref<128x128xf32, #tpu.memory_space<hbm>>) dst(%arg7 : memref<128x128xf32, #tpu.memory_space<vmem>>)
        %mul3A_248 = arith.constant 128 : i32
        %mul3A_249 = arith.muli %sub3A_241, %mul3A_248 : i32
        %add3A_250 = arith.addi %mul3A_2, %mul3A_249 : i32
        %dma_start3A_251 = arith.constant 0 : i32
        %dma_start3A_252 = arith.constant 0 : i32
        %dma_start3A_253 = tpu.memref_slice %arg7[%dma_start3A_251, %dma_start3A_252] : memref<128x128xf32, #tpu.memory_space<vmem>> -> memref<128x64xf32, #tpu.memory_space<vmem>>
        %dma_start3A_254 = arith.constant 0 : i32
        %dma_start3A_255 = tpu.memref_slice %arg4[%add3A_250, %dma_start3A_254] : memref<819200x64xf32, #tpu.memory_space<hbm>> -> memref<128x64xf32, #tpu.memory_space<hbm>>
        %dma_start3A_256 = arith.constant 0 : i32
        %dma_start3A_257 = tpu.memref_slice %arg4[%add3A_250, %dma_start3A_256] : memref<819200x64xf32, #tpu.memory_space<hbm>> -> memref<128x64xf32, #tpu.memory_space<hbm>>
        %dma_start3A_258 = arith.constant 0 : i32
        %dma_start3A_259 = arith.constant 0 : i32
        %dma_start3A_260 = tpu.memref_slice %arg7[%dma_start3A_258, %dma_start3A_259] : memref<128x128xf32, #tpu.memory_space<vmem>> -> memref<128x64xf32, #tpu.memory_space<vmem>>
        tpu.enqueue_dma source(%dma_start3A_260 : memref<128x64xf32, #tpu.memory_space<vmem>>) target(%dma_start3A_257 : memref<128x64xf32, #tpu.memory_space<hbm>>) target_semaphore(%arg17 : memref<!tpu.dma_semaphore, #tpu.memory_space<semaphore_mem>>)
      } else {
      }
      %mul3A_145 = arith.constant 5 : i32
      %mul3A_146 = arith.muli %scan3A_127, %mul3A_145 : i32
      %add3A_147 = arith.constant 1 : i32
      %add3A_148 = arith.addi %mul3A_146, %add3A_147 : i32
      %gt3A_149 = arith.constant 0 : i32
      %gt3A_150 = arith.cmpi sgt, %scan3A_127, %gt3A_149 : i32
      %convert_element_type3A_151 = arith.extui %gt3A_150 : i1 to i32
      %cond3A_152 = arith.constant 0 : i32
      %cond3A_153 = arith.cmpi ne, %convert_element_type3A_151, %cond3A_152 : i32
      scf.if %cond3A_153 {
        %dma_wait3A_240 = arith.constant 0 : i32
        %dma_wait3A_241 = arith.constant 0 : i32
        %dma_wait3A_242 = tpu.memref_slice %arg7[%dma_wait3A_240, %dma_wait3A_241] : memref<128x128xf32, #tpu.memory_space<vmem>> -> memref<128x64xf32, #tpu.memory_space<vmem>>
        %dma_wait3A_243 = arith.constant 0 : i32
        %dma_wait3A_244 = tpu.memref_slice %arg4[%mul3A_2, %dma_wait3A_243] : memref<819200x64xf32, #tpu.memory_space<hbm>> -> memref<128x64xf32, #tpu.memory_space<hbm>>
        %dma_wait3A_245 = arith.constant 0 : i32
        %dma_wait3A_246 = tpu.memref_slice %arg4[%mul3A_2, %dma_wait3A_245] : memref<819200x64xf32, #tpu.memory_space<hbm>> -> memref<128x64xf32, #tpu.memory_space<hbm>>
        %dma_wait3A_247 = arith.constant 0 : i32
        %dma_wait3A_248 = arith.constant 0 : i32
        %dma_wait3A_249 = tpu.memref_slice %arg7[%dma_wait3A_247, %dma_wait3A_248] : memref<128x128xf32, #tpu.memory_space<vmem>> -> memref<128x64xf32, #tpu.memory_space<vmem>>
        tpu.wait_dma2 semaphore(%arg17 : memref<!tpu.dma_semaphore, #tpu.memory_space<semaphore_mem>>) src(%dma_wait3A_249 : memref<128x64xf32, #tpu.memory_space<vmem>>) dst(%dma_wait3A_246 : memref<128x64xf32, #tpu.memory_space<hbm>>)
      } else {
      }
      %mul3A_154 = arith.constant 128 : i32
      %mul3A_155 = arith.muli %add3A_148, %mul3A_154 : i32
      %dma_start3A_156 = tpu.memref_slice %arg5[%mul3A_155] : memref<25600xi32, #tpu.memory_space<vmem>> -> memref<128xi32, #tpu.memory_space<vmem>>
      %dma_start3A_157 = arith.constant 0 : i32
      %dma_start3A_158 = arith.constant 0 : i32
      %dma_start3A_159 = tpu.memref_slice %arg3[%dma_start3A_157, %dma_start3A_158] : memref<1000000x128xf32, #tpu.memory_space<hbm>> -> memref<1000000x128xf32, #tpu.memory_space<hbm>>
      tpu.enqueue_indirect_dma source(%dma_start3A_159 : memref<1000000x128xf32, #tpu.memory_space<hbm>>) target(%arg7 : memref<128x128xf32, #tpu.memory_space<vmem>>) offsets(%dma_start3A_156 : memref<128xi32, #tpu.memory_space<vmem>>) semaphore(%arg12 : memref<!tpu.dma_semaphore, #tpu.memory_space<semaphore_mem>>)
      %gt3A_160 = arith.constant 0 : i32
      %gt3A_161 = arith.cmpi sgt, %scan3A_127, %gt3A_160 : i32
      %convert_element_type3A_162 = arith.extui %gt3A_161 : i1 to i32
      %cond3A_163 = arith.constant 0 : i32
      %cond3A_164 = arith.cmpi ne, %convert_element_type3A_162, %cond3A_163 : i32
      scf.if %cond3A_164 {
        %sub3A_240 = arith.constant 4 : i32
        %sub3A_241 = arith.subi %add3A_148, %sub3A_240 : i32
        %dma_wait3A_242 = arith.constant 0 : i32
        %dma_wait3A_243 = arith.constant 0 : i32
        %dma_wait3A_244 = tpu.memref_slice %arg3[%dma_wait3A_242, %dma_wait3A_243] : memref<1000000x128xf32, #tpu.memory_space<hbm>> -> memref<128x128xf32, #tpu.memory_space<hbm>>
        %dma_wait3A_245 = arith.constant 0 : i32
        %dma_wait3A_246 = arith.constant 0 : i32
        %dma_wait3A_247 = tpu.memref_slice %arg3[%dma_wait3A_245, %dma_wait3A_246] : memref<1000000x128xf32, #tpu.memory_space<hbm>> -> memref<128x128xf32, #tpu.memory_space<hbm>>
        tpu.wait_dma2 semaphore(%arg13 : memref<!tpu.dma_semaphore, #tpu.memory_space<semaphore_mem>>) src(%dma_wait3A_247 : memref<128x128xf32, #tpu.memory_space<hbm>>) dst(%arg8 : memref<128x128xf32, #tpu.memory_space<vmem>>)
        %mul3A_248 = arith.constant 128 : i32
        %mul3A_249 = arith.muli %sub3A_241, %mul3A_248 : i32
        %add3A_250 = arith.addi %mul3A_2, %mul3A_249 : i32
        %dma_start3A_251 = arith.constant 0 : i32
        %dma_start3A_252 = arith.constant 0 : i32
        %dma_start3A_253 = tpu.memref_slice %arg8[%dma_start3A_251, %dma_start3A_252] : memref<128x128xf32, #tpu.memory_space<vmem>> -> memref<128x64xf32, #tpu.memory_space<vmem>>
        %dma_start3A_254 = arith.constant 0 : i32
        %dma_start3A_255 = tpu.memref_slice %arg4[%add3A_250, %dma_start3A_254] : memref<819200x64xf32, #tpu.memory_space<hbm>> -> memref<128x64xf32, #tpu.memory_space<hbm>>
        %dma_start3A_256 = arith.constant 0 : i32
        %dma_start3A_257 = tpu.memref_slice %arg4[%add3A_250, %dma_start3A_256] : memref<819200x64xf32, #tpu.memory_space<hbm>> -> memref<128x64xf32, #tpu.memory_space<hbm>>
        %dma_start3A_258 = arith.constant 0 : i32
        %dma_start3A_259 = arith.constant 0 : i32
        %dma_start3A_260 = tpu.memref_slice %arg8[%dma_start3A_258, %dma_start3A_259] : memref<128x128xf32, #tpu.memory_space<vmem>> -> memref<128x64xf32, #tpu.memory_space<vmem>>
        tpu.enqueue_dma source(%dma_start3A_260 : memref<128x64xf32, #tpu.memory_space<vmem>>) target(%dma_start3A_257 : memref<128x64xf32, #tpu.memory_space<hbm>>) target_semaphore(%arg18 : memref<!tpu.dma_semaphore, #tpu.memory_space<semaphore_mem>>)
      } else {
      }
      %mul3A_165 = arith.constant 5 : i32
      %mul3A_166 = arith.muli %scan3A_127, %mul3A_165 : i32
      %add3A_167 = arith.constant 2 : i32
      %add3A_168 = arith.addi %mul3A_166, %add3A_167 : i32
      %gt3A_169 = arith.constant 0 : i32
      %gt3A_170 = arith.cmpi sgt, %scan3A_127, %gt3A_169 : i32
      %convert_element_type3A_171 = arith.extui %gt3A_170 : i1 to i32
      %cond3A_172 = arith.constant 0 : i32
      %cond3A_173 = arith.cmpi ne, %convert_element_type3A_171, %cond3A_172 : i32
      scf.if %cond3A_173 {
        %dma_wait3A_240 = arith.constant 0 : i32
        %dma_wait3A_241 = arith.constant 0 : i32
        %dma_wait3A_242 = tpu.memref_slice %arg8[%dma_wait3A_240, %dma_wait3A_241] : memref<128x128xf32, #tpu.memory_space<vmem>> -> memref<128x64xf32, #tpu.memory_space<vmem>>
        %dma_wait3A_243 = arith.constant 0 : i32
        %dma_wait3A_244 = tpu.memref_slice %arg4[%mul3A_2, %dma_wait3A_243] : memref<819200x64xf32, #tpu.memory_space<hbm>> -> memref<128x64xf32, #tpu.memory_space<hbm>>
        %dma_wait3A_245 = arith.constant 0 : i32
        %dma_wait3A_246 = tpu.memref_slice %arg4[%mul3A_2, %dma_wait3A_245] : memref<819200x64xf32, #tpu.memory_space<hbm>> -> memref<128x64xf32, #tpu.memory_space<hbm>>
        %dma_wait3A_247 = arith.constant 0 : i32
        %dma_wait3A_248 = arith.constant 0 : i32
        %dma_wait3A_249 = tpu.memref_slice %arg8[%dma_wait3A_247, %dma_wait3A_248] : memref<128x128xf32, #tpu.memory_space<vmem>> -> memref<128x64xf32, #tpu.memory_space<vmem>>
        tpu.wait_dma2 semaphore(%arg18 : memref<!tpu.dma_semaphore, #tpu.memory_space<semaphore_mem>>) src(%dma_wait3A_249 : memref<128x64xf32, #tpu.memory_space<vmem>>) dst(%dma_wait3A_246 : memref<128x64xf32, #tpu.memory_space<hbm>>)
      } else {
      }
      %mul3A_174 = arith.constant 128 : i32
      %mul3A_175 = arith.muli %add3A_168, %mul3A_174 : i32
      %dma_start3A_176 = tpu.memref_slice %arg5[%mul3A_175] : memref<25600xi32, #tpu.memory_space<vmem>> -> memref<128xi32, #tpu.memory_space<vmem>>
      %dma_start3A_177 = arith.constant 0 : i32
      %dma_start3A_178 = arith.constant 0 : i32
      %dma_start3A_179 = tpu.memref_slice %arg3[%dma_start3A_177, %dma_start3A_178] : memref<1000000x128xf32, #tpu.memory_space<hbm>> -> memref<1000000x128xf32, #tpu.memory_space<hbm>>
      tpu.enqueue_indirect_dma source(%dma_start3A_179 : memref<1000000x128xf32, #tpu.memory_space<hbm>>) target(%arg8 : memref<128x128xf32, #tpu.memory_space<vmem>>) offsets(%dma_start3A_176 : memref<128xi32, #tpu.memory_space<vmem>>) semaphore(%arg13 : memref<!tpu.dma_semaphore, #tpu.memory_space<semaphore_mem>>)
      %gt3A_180 = arith.constant 0 : i32
      %gt3A_181 = arith.cmpi sgt, %scan3A_127, %gt3A_180 : i32
      %convert_element_type3A_182 = arith.extui %gt3A_181 : i1 to i32
      %cond3A_183 = arith.constant 0 : i32
      %cond3A_184 = arith.cmpi ne, %convert_element_type3A_182, %cond3A_183 : i32
      scf.if %cond3A_184 {
        %sub3A_240 = arith.constant 4 : i32
        %sub3A_241 = arith.subi %add3A_168, %sub3A_240 : i32
        %dma_wait3A_242 = arith.constant 0 : i32
        %dma_wait3A_243 = arith.constant 0 : i32
        %dma_wait3A_244 = tpu.memref_slice %arg3[%dma_wait3A_242, %dma_wait3A_243] : memref<1000000x128xf32, #tpu.memory_space<hbm>> -> memref<128x128xf32, #tpu.memory_space<hbm>>
        %dma_wait3A_245 = arith.constant 0 : i32
        %dma_wait3A_246 = arith.constant 0 : i32
        %dma_wait3A_247 = tpu.memref_slice %arg3[%dma_wait3A_245, %dma_wait3A_246] : memref<1000000x128xf32, #tpu.memory_space<hbm>> -> memref<128x128xf32, #tpu.memory_space<hbm>>
        tpu.wait_dma2 semaphore(%arg14 : memref<!tpu.dma_semaphore, #tpu.memory_space<semaphore_mem>>) src(%dma_wait3A_247 : memref<128x128xf32, #tpu.memory_space<hbm>>) dst(%arg9 : memref<128x128xf32, #tpu.memory_space<vmem>>)
        %mul3A_248 = arith.constant 128 : i32
        %mul3A_249 = arith.muli %sub3A_241, %mul3A_248 : i32
        %add3A_250 = arith.addi %mul3A_2, %mul3A_249 : i32
        %dma_start3A_251 = arith.constant 0 : i32
        %dma_start3A_252 = arith.constant 0 : i32
        %dma_start3A_253 = tpu.memref_slice %arg9[%dma_start3A_251, %dma_start3A_252] : memref<128x128xf32, #tpu.memory_space<vmem>> -> memref<128x64xf32, #tpu.memory_space<vmem>>
        %dma_start3A_254 = arith.constant 0 : i32
        %dma_start3A_255 = tpu.memref_slice %arg4[%add3A_250, %dma_start3A_254] : memref<819200x64xf32, #tpu.memory_space<hbm>> -> memref<128x64xf32, #tpu.memory_space<hbm>>
        %dma_start3A_256 = arith.constant 0 : i32
        %dma_start3A_257 = tpu.memref_slice %arg4[%add3A_250, %dma_start3A_256] : memref<819200x64xf32, #tpu.memory_space<hbm>> -> memref<128x64xf32, #tpu.memory_space<hbm>>
        %dma_start3A_258 = arith.constant 0 : i32
        %dma_start3A_259 = arith.constant 0 : i32
        %dma_start3A_260 = tpu.memref_slice %arg9[%dma_start3A_258, %dma_start3A_259] : memref<128x128xf32, #tpu.memory_space<vmem>> -> memref<128x64xf32, #tpu.memory_space<vmem>>
        tpu.enqueue_dma source(%dma_start3A_260 : memref<128x64xf32, #tpu.memory_space<vmem>>) target(%dma_start3A_257 : memref<128x64xf32, #tpu.memory_space<hbm>>) target_semaphore(%arg19 : memref<!tpu.dma_semaphore, #tpu.memory_space<semaphore_mem>>)
      } else {
      }
      %mul3A_185 = arith.constant 5 : i32
      %mul3A_186 = arith.muli %scan3A_127, %mul3A_185 : i32
      %add3A_187 = arith.constant 3 : i32
      %add3A_188 = arith.addi %mul3A_186, %add3A_187 : i32
      %gt3A_189 = arith.constant 0 : i32
      %gt3A_190 = arith.cmpi sgt, %scan3A_127, %gt3A_189 : i32
      %convert_element_type3A_191 = arith.extui %gt3A_190 : i1 to i32
      %cond3A_192 = arith.constant 0 : i32
      %cond3A_193 = arith.cmpi ne, %convert_element_type3A_191, %cond3A_192 : i32
      scf.if %cond3A_193 {
        %dma_wait3A_240 = arith.constant 0 : i32
        %dma_wait3A_241 = arith.constant 0 : i32
        %dma_wait3A_242 = tpu.memref_slice %arg9[%dma_wait3A_240, %dma_wait3A_241] : memref<128x128xf32, #tpu.memory_space<vmem>> -> memref<128x64xf32, #tpu.memory_space<vmem>>
        %dma_wait3A_243 = arith.constant 0 : i32
        %dma_wait3A_244 = tpu.memref_slice %arg4[%mul3A_2, %dma_wait3A_243] : memref<819200x64xf32, #tpu.memory_space<hbm>> -> memref<128x64xf32, #tpu.memory_space<hbm>>
        %dma_wait3A_245 = arith.constant 0 : i32
        %dma_wait3A_246 = tpu.memref_slice %arg4[%mul3A_2, %dma_wait3A_245] : memref<819200x64xf32, #tpu.memory_space<hbm>> -> memref<128x64xf32, #tpu.memory_space<hbm>>
        %dma_wait3A_247 = arith.constant 0 : i32
        %dma_wait3A_248 = arith.constant 0 : i32
        %dma_wait3A_249 = tpu.memref_slice %arg9[%dma_wait3A_247, %dma_wait3A_248] : memref<128x128xf32, #tpu.memory_space<vmem>> -> memref<128x64xf32, #tpu.memory_space<vmem>>
        tpu.wait_dma2 semaphore(%arg19 : memref<!tpu.dma_semaphore, #tpu.memory_space<semaphore_mem>>) src(%dma_wait3A_249 : memref<128x64xf32, #tpu.memory_space<vmem>>) dst(%dma_wait3A_246 : memref<128x64xf32, #tpu.memory_space<hbm>>)
      } else {
      }
      %mul3A_194 = arith.constant 128 : i32
      %mul3A_195 = arith.muli %add3A_188, %mul3A_194 : i32
      %dma_start3A_196 = tpu.memref_slice %arg5[%mul3A_195] : memref<25600xi32, #tpu.memory_space<vmem>> -> memref<128xi32, #tpu.memory_space<vmem>>
      %dma_start3A_197 = arith.constant 0 : i32
      %dma_start3A_198 = arith.constant 0 : i32
      %dma_start3A_199 = tpu.memref_slice %arg3[%dma_start3A_197, %dma_start3A_198] : memref<1000000x128xf32, #tpu.memory_space<hbm>> -> memref<1000000x128xf32, #tpu.memory_space<hbm>>
      tpu.enqueue_indirect_dma source(%dma_start3A_199 : memref<1000000x128xf32, #tpu.memory_space<hbm>>) target(%arg9 : memref<128x128xf32, #tpu.memory_space<vmem>>) offsets(%dma_start3A_196 : memref<128xi32, #tpu.memory_space<vmem>>) semaphore(%arg14 : memref<!tpu.dma_semaphore, #tpu.memory_space<semaphore_mem>>)
      %gt3A_200 = arith.constant 0 : i32
      %gt3A_201 = arith.cmpi sgt, %scan3A_127, %gt3A_200 : i32
      %convert_element_type3A_202 = arith.extui %gt3A_201 : i1 to i32
      %cond3A_203 = arith.constant 0 : i32
      %cond3A_204 = arith.cmpi ne, %convert_element_type3A_202, %cond3A_203 : i32
      scf.if %cond3A_204 {
        %sub3A_240 = arith.constant 4 : i32
        %sub3A_241 = arith.subi %add3A_188, %sub3A_240 : i32
        %dma_wait3A_242 = arith.constant 0 : i32
        %dma_wait3A_243 = arith.constant 0 : i32
        %dma_wait3A_244 = tpu.memref_slice %arg3[%dma_wait3A_242, %dma_wait3A_243] : memref<1000000x128xf32, #tpu.memory_space<hbm>> -> memref<128x128xf32, #tpu.memory_space<hbm>>
        %dma_wait3A_245 = arith.constant 0 : i32
        %dma_wait3A_246 = arith.constant 0 : i32
        %dma_wait3A_247 = tpu.memref_slice %arg3[%dma_wait3A_245, %dma_wait3A_246] : memref<1000000x128xf32, #tpu.memory_space<hbm>> -> memref<128x128xf32, #tpu.memory_space<hbm>>
        tpu.wait_dma2 semaphore(%arg15 : memref<!tpu.dma_semaphore, #tpu.memory_space<semaphore_mem>>) src(%dma_wait3A_247 : memref<128x128xf32, #tpu.memory_space<hbm>>) dst(%arg10 : memref<128x128xf32, #tpu.memory_space<vmem>>)
        %mul3A_248 = arith.constant 128 : i32
        %mul3A_249 = arith.muli %sub3A_241, %mul3A_248 : i32
        %add3A_250 = arith.addi %mul3A_2, %mul3A_249 : i32
        %dma_start3A_251 = arith.constant 0 : i32
        %dma_start3A_252 = arith.constant 0 : i32
        %dma_start3A_253 = tpu.memref_slice %arg10[%dma_start3A_251, %dma_start3A_252] : memref<128x128xf32, #tpu.memory_space<vmem>> -> memref<128x64xf32, #tpu.memory_space<vmem>>
        %dma_start3A_254 = arith.constant 0 : i32
        %dma_start3A_255 = tpu.memref_slice %arg4[%add3A_250, %dma_start3A_254] : memref<819200x64xf32, #tpu.memory_space<hbm>> -> memref<128x64xf32, #tpu.memory_space<hbm>>
        %dma_start3A_256 = arith.constant 0 : i32
        %dma_start3A_257 = tpu.memref_slice %arg4[%add3A_250, %dma_start3A_256] : memref<819200x64xf32, #tpu.memory_space<hbm>> -> memref<128x64xf32, #tpu.memory_space<hbm>>
        %dma_start3A_258 = arith.constant 0 : i32
        %dma_start3A_259 = arith.constant 0 : i32
        %dma_start3A_260 = tpu.memref_slice %arg10[%dma_start3A_258, %dma_start3A_259] : memref<128x128xf32, #tpu.memory_space<vmem>> -> memref<128x64xf32, #tpu.memory_space<vmem>>
        tpu.enqueue_dma source(%dma_start3A_260 : memref<128x64xf32, #tpu.memory_space<vmem>>) target(%dma_start3A_257 : memref<128x64xf32, #tpu.memory_space<hbm>>) target_semaphore(%arg20 : memref<!tpu.dma_semaphore, #tpu.memory_space<semaphore_mem>>)
      } else {
      }
      %mul3A_205 = arith.constant 5 : i32
      %mul3A_206 = arith.muli %scan3A_127, %mul3A_205 : i32
      %add3A_207 = arith.constant 4 : i32
      %add3A_208 = arith.addi %mul3A_206, %add3A_207 : i32
      %gt3A_209 = arith.constant 0 : i32
      %gt3A_210 = arith.cmpi sgt, %scan3A_127, %gt3A_209 : i32
      %convert_element_type3A_211 = arith.extui %gt3A_210 : i1 to i32
      %cond3A_212 = arith.constant 0 : i32
      %cond3A_213 = arith.cmpi ne, %convert_element_type3A_211, %cond3A_212 : i32
      scf.if %cond3A_213 {
        %dma_wait3A_240 = arith.constant 0 : i32
        %dma_wait3A_241 = arith.constant 0 : i32
        %dma_wait3A_242 = tpu.memref_slice %arg10[%dma_wait3A_240, %dma_wait3A_241] : memref<128x128xf32, #tpu.memory_space<vmem>> -> memref<128x64xf32, #tpu.memory_space<vmem>>
        %dma_wait3A_243 = arith.constant 0 : i32
        %dma_wait3A_244 = tpu.memref_slice %arg4[%mul3A_2, %dma_wait3A_243] : memref<819200x64xf32, #tpu.memory_space<hbm>> -> memref<128x64xf32, #tpu.memory_space<hbm>>
        %dma_wait3A_245 = arith.constant 0 : i32
        %dma_wait3A_246 = tpu.memref_slice %arg4[%mul3A_2, %dma_wait3A_245] : memref<819200x64xf32, #tpu.memory_space<hbm>> -> memref<128x64xf32, #tpu.memory_space<hbm>>
        %dma_wait3A_247 = arith.constant 0 : i32
        %dma_wait3A_248 = arith.constant 0 : i32
        %dma_wait3A_249 = tpu.memref_slice %arg10[%dma_wait3A_247, %dma_wait3A_248] : memref<128x128xf32, #tpu.memory_space<vmem>> -> memref<128x64xf32, #tpu.memory_space<vmem>>
        tpu.wait_dma2 semaphore(%arg20 : memref<!tpu.dma_semaphore, #tpu.memory_space<semaphore_mem>>) src(%dma_wait3A_249 : memref<128x64xf32, #tpu.memory_space<vmem>>) dst(%dma_wait3A_246 : memref<128x64xf32, #tpu.memory_space<hbm>>)
      } else {
      }
      %mul3A_214 = arith.constant 128 : i32
      %mul3A_215 = arith.muli %add3A_208, %mul3A_214 : i32
      %dma_start3A_216 = tpu.memref_slice %arg5[%mul3A_215] : memref<25600xi32, #tpu.memory_space<vmem>> -> memref<128xi32, #tpu.memory_space<vmem>>
      %dma_start3A_217 = arith.constant 0 : i32
      %dma_start3A_218 = arith.constant 0 : i32
      %dma_start3A_219 = tpu.memref_slice %arg3[%dma_start3A_217, %dma_start3A_218] : memref<1000000x128xf32, #tpu.memory_space<hbm>> -> memref<1000000x128xf32, #tpu.memory_space<hbm>>
      tpu.enqueue_indirect_dma source(%dma_start3A_219 : memref<1000000x128xf32, #tpu.memory_space<hbm>>) target(%arg10 : memref<128x128xf32, #tpu.memory_space<vmem>>) offsets(%dma_start3A_216 : memref<128xi32, #tpu.memory_space<vmem>>) semaphore(%arg15 : memref<!tpu.dma_semaphore, #tpu.memory_space<semaphore_mem>>)
      %sub3A = arith.constant 4 : i32
      %sub3A_220 = arith.subi %add3A_208, %sub3A : i32
      %dma_wait3A_221 = arith.constant 0 : i32
      %dma_wait3A_222 = arith.constant 0 : i32
      %dma_wait3A_223 = tpu.memref_slice %arg3[%dma_wait3A_221, %dma_wait3A_222] : memref<1000000x128xf32, #tpu.memory_space<hbm>> -> memref<128x128xf32, #tpu.memory_space<hbm>>
      %dma_wait3A_224 = arith.constant 0 : i32
      %dma_wait3A_225 = arith.constant 0 : i32
      %dma_wait3A_226 = tpu.memref_slice %arg3[%dma_wait3A_224, %dma_wait3A_225] : memref<1000000x128xf32, #tpu.memory_space<hbm>> -> memref<128x128xf32, #tpu.memory_space<hbm>>
      tpu.wait_dma2 semaphore(%arg11 : memref<!tpu.dma_semaphore, #tpu.memory_space<semaphore_mem>>) src(%dma_wait3A_226 : memref<128x128xf32, #tpu.memory_space<hbm>>) dst(%arg6 : memref<128x128xf32, #tpu.memory_space<vmem>>)
      %mul3A_227 = arith.constant 128 : i32
      %mul3A_228 = arith.muli %sub3A_220, %mul3A_227 : i32
      %add3A_229 = arith.addi %mul3A_2, %mul3A_228 : i32
      %dma_start3A_230 = arith.constant 0 : i32
      %dma_start3A_231 = arith.constant 0 : i32
      %dma_start3A_232 = tpu.memref_slice %arg6[%dma_start3A_230, %dma_start3A_231] : memref<128x128xf32, #tpu.memory_space<vmem>> -> memref<128x64xf32, #tpu.memory_space<vmem>>
      %dma_start3A_233 = arith.constant 0 : i32
      %dma_start3A_234 = tpu.memref_slice %arg4[%add3A_229, %dma_start3A_233] : memref<819200x64xf32, #tpu.memory_space<hbm>> -> memref<128x64xf32, #tpu.memory_space<hbm>>
      %dma_start3A_235 = arith.constant 0 : i32
      %dma_start3A_236 = tpu.memref_slice %arg4[%add3A_229, %dma_start3A_235] : memref<819200x64xf32, #tpu.memory_space<hbm>> -> memref<128x64xf32, #tpu.memory_space<hbm>>
      %dma_start3A_237 = arith.constant 0 : i32
      %dma_start3A_238 = arith.constant 0 : i32
      %dma_start3A_239 = tpu.memref_slice %arg6[%dma_start3A_237, %dma_start3A_238] : memref<128x128xf32, #tpu.memory_space<vmem>> -> memref<128x64xf32, #tpu.memory_space<vmem>>
      tpu.enqueue_dma source(%dma_start3A_239 : memref<128x64xf32, #tpu.memory_space<vmem>>) target(%dma_start3A_236 : memref<128x64xf32, #tpu.memory_space<hbm>>) target_semaphore(%arg16 : memref<!tpu.dma_semaphore, #tpu.memory_space<semaphore_mem>>)
    }
    %scan3A_6 = arith.constant 40 : i32
    %dma_wait3A = arith.constant 0 : i32
    %dma_wait3A_7 = arith.constant 0 : i32
    %dma_wait3A_8 = tpu.memref_slice %arg3[%dma_wait3A, %dma_wait3A_7] : memref<1000000x128xf32, #tpu.memory_space<hbm>> -> memref<128x128xf32, #tpu.memory_space<hbm>>
    %dma_wait3A_9 = arith.constant 0 : i32
    %dma_wait3A_10 = arith.constant 0 : i32
    %dma_wait3A_11 = tpu.memref_slice %arg3[%dma_wait3A_9, %dma_wait3A_10] : memref<1000000x128xf32, #tpu.memory_space<hbm>> -> memref<128x128xf32, #tpu.memory_space<hbm>>
    tpu.wait_dma2 semaphore(%arg12 : memref<!tpu.dma_semaphore, #tpu.memory_space<semaphore_mem>>) src(%dma_wait3A_11 : memref<128x128xf32, #tpu.memory_space<hbm>>) dst(%arg7 : memref<128x128xf32, #tpu.memory_space<vmem>>)
    %add3A_12 = arith.constant 25088 : i32
    %add3A_13 = arith.addi %mul3A_2, %add3A_12 : i32
    %dma_start3A = arith.constant 0 : i32
    %dma_start3A_14 = arith.constant 0 : i32
    %dma_start3A_15 = tpu.memref_slice %arg7[%dma_start3A, %dma_start3A_14] : memref<128x128xf32, #tpu.memory_space<vmem>> -> memref<128x64xf32, #tpu.memory_space<vmem>>
    %dma_start3A_16 = arith.constant 0 : i32
    %dma_start3A_17 = tpu.memref_slice %arg4[%add3A_13, %dma_start3A_16] : memref<819200x64xf32, #tpu.memory_space<hbm>> -> memref<128x64xf32, #tpu.memory_space<hbm>>
    %dma_start3A_18 = arith.constant 0 : i32
    %dma_start3A_19 = tpu.memref_slice %arg4[%add3A_13, %dma_start3A_18] : memref<819200x64xf32, #tpu.memory_space<hbm>> -> memref<128x64xf32, #tpu.memory_space<hbm>>
    %dma_start3A_20 = arith.constant 0 : i32
    %dma_start3A_21 = arith.constant 0 : i32
    %dma_start3A_22 = tpu.memref_slice %arg7[%dma_start3A_20, %dma_start3A_21] : memref<128x128xf32, #tpu.memory_space<vmem>> -> memref<128x64xf32, #tpu.memory_space<vmem>>
    tpu.enqueue_dma source(%dma_start3A_22 : memref<128x64xf32, #tpu.memory_space<vmem>>) target(%dma_start3A_19 : memref<128x64xf32, #tpu.memory_space<hbm>>) target_semaphore(%arg17 : memref<!tpu.dma_semaphore, #tpu.memory_space<semaphore_mem>>)
    %dma_wait3A_23 = arith.constant 0 : i32
    %dma_wait3A_24 = arith.constant 0 : i32
    %dma_wait3A_25 = tpu.memref_slice %arg3[%dma_wait3A_23, %dma_wait3A_24] : memref<1000000x128xf32, #tpu.memory_space<hbm>> -> memref<128x128xf32, #tpu.memory_space<hbm>>
    %dma_wait3A_26 = arith.constant 0 : i32
    %dma_wait3A_27 = arith.constant 0 : i32
    %dma_wait3A_28 = tpu.memref_slice %arg3[%dma_wait3A_26, %dma_wait3A_27] : memref<1000000x128xf32, #tpu.memory_space<hbm>> -> memref<128x128xf32, #tpu.memory_space<hbm>>
    tpu.wait_dma2 semaphore(%arg13 : memref<!tpu.dma_semaphore, #tpu.memory_space<semaphore_mem>>) src(%dma_wait3A_28 : memref<128x128xf32, #tpu.memory_space<hbm>>) dst(%arg8 : memref<128x128xf32, #tpu.memory_space<vmem>>)
    %add3A_29 = arith.constant 25216 : i32
    %add3A_30 = arith.addi %mul3A_2, %add3A_29 : i32
    %dma_start3A_31 = arith.constant 0 : i32
    %dma_start3A_32 = arith.constant 0 : i32
    %dma_start3A_33 = tpu.memref_slice %arg8[%dma_start3A_31, %dma_start3A_32] : memref<128x128xf32, #tpu.memory_space<vmem>> -> memref<128x64xf32, #tpu.memory_space<vmem>>
    %dma_start3A_34 = arith.constant 0 : i32
    %dma_start3A_35 = tpu.memref_slice %arg4[%add3A_30, %dma_start3A_34] : memref<819200x64xf32, #tpu.memory_space<hbm>> -> memref<128x64xf32, #tpu.memory_space<hbm>>
    %dma_start3A_36 = arith.constant 0 : i32
    %dma_start3A_37 = tpu.memref_slice %arg4[%add3A_30, %dma_start3A_36] : memref<819200x64xf32, #tpu.memory_space<hbm>> -> memref<128x64xf32, #tpu.memory_space<hbm>>
    %dma_start3A_38 = arith.constant 0 : i32
    %dma_start3A_39 = arith.constant 0 : i32
    %dma_start3A_40 = tpu.memref_slice %arg8[%dma_start3A_38, %dma_start3A_39] : memref<128x128xf32, #tpu.memory_space<vmem>> -> memref<128x64xf32, #tpu.memory_space<vmem>>
    tpu.enqueue_dma source(%dma_start3A_40 : memref<128x64xf32, #tpu.memory_space<vmem>>) target(%dma_start3A_37 : memref<128x64xf32, #tpu.memory_space<hbm>>) target_semaphore(%arg18 : memref<!tpu.dma_semaphore, #tpu.memory_space<semaphore_mem>>)
    %dma_wait3A_41 = arith.constant 0 : i32
    %dma_wait3A_42 = arith.constant 0 : i32
    %dma_wait3A_43 = tpu.memref_slice %arg3[%dma_wait3A_41, %dma_wait3A_42] : memref<1000000x128xf32, #tpu.memory_space<hbm>> -> memref<128x128xf32, #tpu.memory_space<hbm>>
    %dma_wait3A_44 = arith.constant 0 : i32
    %dma_wait3A_45 = arith.constant 0 : i32
    %dma_wait3A_46 = tpu.memref_slice %arg3[%dma_wait3A_44, %dma_wait3A_45] : memref<1000000x128xf32, #tpu.memory_space<hbm>> -> memref<128x128xf32, #tpu.memory_space<hbm>>
    tpu.wait_dma2 semaphore(%arg14 : memref<!tpu.dma_semaphore, #tpu.memory_space<semaphore_mem>>) src(%dma_wait3A_46 : memref<128x128xf32, #tpu.memory_space<hbm>>) dst(%arg9 : memref<128x128xf32, #tpu.memory_space<vmem>>)
    %add3A_47 = arith.constant 25344 : i32
    %add3A_48 = arith.addi %mul3A_2, %add3A_47 : i32
    %dma_start3A_49 = arith.constant 0 : i32
    %dma_start3A_50 = arith.constant 0 : i32
    %dma_start3A_51 = tpu.memref_slice %arg9[%dma_start3A_49, %dma_start3A_50] : memref<128x128xf32, #tpu.memory_space<vmem>> -> memref<128x64xf32, #tpu.memory_space<vmem>>
    %dma_start3A_52 = arith.constant 0 : i32
    %dma_start3A_53 = tpu.memref_slice %arg4[%add3A_48, %dma_start3A_52] : memref<819200x64xf32, #tpu.memory_space<hbm>> -> memref<128x64xf32, #tpu.memory_space<hbm>>
    %dma_start3A_54 = arith.constant 0 : i32
    %dma_start3A_55 = tpu.memref_slice %arg4[%add3A_48, %dma_start3A_54] : memref<819200x64xf32, #tpu.memory_space<hbm>> -> memref<128x64xf32, #tpu.memory_space<hbm>>
    %dma_start3A_56 = arith.constant 0 : i32
    %dma_start3A_57 = arith.constant 0 : i32
    %dma_start3A_58 = tpu.memref_slice %arg9[%dma_start3A_56, %dma_start3A_57] : memref<128x128xf32, #tpu.memory_space<vmem>> -> memref<128x64xf32, #tpu.memory_space<vmem>>
    tpu.enqueue_dma source(%dma_start3A_58 : memref<128x64xf32, #tpu.memory_space<vmem>>) target(%dma_start3A_55 : memref<128x64xf32, #tpu.memory_space<hbm>>) target_semaphore(%arg19 : memref<!tpu.dma_semaphore, #tpu.memory_space<semaphore_mem>>)
    %dma_wait3A_59 = arith.constant 0 : i32
    %dma_wait3A_60 = arith.constant 0 : i32
    %dma_wait3A_61 = tpu.memref_slice %arg3[%dma_wait3A_59, %dma_wait3A_60] : memref<1000000x128xf32, #tpu.memory_space<hbm>> -> memref<128x128xf32, #tpu.memory_space<hbm>>
    %dma_wait3A_62 = arith.constant 0 : i32
    %dma_wait3A_63 = arith.constant 0 : i32
    %dma_wait3A_64 = tpu.memref_slice %arg3[%dma_wait3A_62, %dma_wait3A_63] : memref<1000000x128xf32, #tpu.memory_space<hbm>> -> memref<128x128xf32, #tpu.memory_space<hbm>>
    tpu.wait_dma2 semaphore(%arg15 : memref<!tpu.dma_semaphore, #tpu.memory_space<semaphore_mem>>) src(%dma_wait3A_64 : memref<128x128xf32, #tpu.memory_space<hbm>>) dst(%arg10 : memref<128x128xf32, #tpu.memory_space<vmem>>)
    %add3A_65 = arith.constant 25472 : i32
    %add3A_66 = arith.addi %mul3A_2, %add3A_65 : i32
    %dma_start3A_67 = arith.constant 0 : i32
    %dma_start3A_68 = arith.constant 0 : i32
    %dma_start3A_69 = tpu.memref_slice %arg10[%dma_start3A_67, %dma_start3A_68] : memref<128x128xf32, #tpu.memory_space<vmem>> -> memref<128x64xf32, #tpu.memory_space<vmem>>
    %dma_start3A_70 = arith.constant 0 : i32
    %dma_start3A_71 = tpu.memref_slice %arg4[%add3A_66, %dma_start3A_70] : memref<819200x64xf32, #tpu.memory_space<hbm>> -> memref<128x64xf32, #tpu.memory_space<hbm>>
    %dma_start3A_72 = arith.constant 0 : i32
    %dma_start3A_73 = tpu.memref_slice %arg4[%add3A_66, %dma_start3A_72] : memref<819200x64xf32, #tpu.memory_space<hbm>> -> memref<128x64xf32, #tpu.memory_space<hbm>>
    %dma_start3A_74 = arith.constant 0 : i32
    %dma_start3A_75 = arith.constant 0 : i32
    %dma_start3A_76 = tpu.memref_slice %arg10[%dma_start3A_74, %dma_start3A_75] : memref<128x128xf32, #tpu.memory_space<vmem>> -> memref<128x64xf32, #tpu.memory_space<vmem>>
    tpu.enqueue_dma source(%dma_start3A_76 : memref<128x64xf32, #tpu.memory_space<vmem>>) target(%dma_start3A_73 : memref<128x64xf32, #tpu.memory_space<hbm>>) target_semaphore(%arg20 : memref<!tpu.dma_semaphore, #tpu.memory_space<semaphore_mem>>)
    %dma_wait3A_77 = arith.constant 0 : i32
    %dma_wait3A_78 = arith.constant 0 : i32
    %dma_wait3A_79 = tpu.memref_slice %arg6[%dma_wait3A_77, %dma_wait3A_78] : memref<128x128xf32, #tpu.memory_space<vmem>> -> memref<128x64xf32, #tpu.memory_space<vmem>>
    %dma_wait3A_80 = arith.constant 0 : i32
    %dma_wait3A_81 = tpu.memref_slice %arg4[%mul3A_2, %dma_wait3A_80] : memref<819200x64xf32, #tpu.memory_space<hbm>> -> memref<128x64xf32, #tpu.memory_space<hbm>>
    %dma_wait3A_82 = arith.constant 0 : i32
    %dma_wait3A_83 = tpu.memref_slice %arg4[%mul3A_2, %dma_wait3A_82] : memref<819200x64xf32, #tpu.memory_space<hbm>> -> memref<128x64xf32, #tpu.memory_space<hbm>>
    %dma_wait3A_84 = arith.constant 0 : i32
    %dma_wait3A_85 = arith.constant 0 : i32
    %dma_wait3A_86 = tpu.memref_slice %arg6[%dma_wait3A_84, %dma_wait3A_85] : memref<128x128xf32, #tpu.memory_space<vmem>> -> memref<128x64xf32, #tpu.memory_space<vmem>>
    tpu.wait_dma2 semaphore(%arg16 : memref<!tpu.dma_semaphore, #tpu.memory_space<semaphore_mem>>) src(%dma_wait3A_86 : memref<128x64xf32, #tpu.memory_space<vmem>>) dst(%dma_wait3A_83 : memref<128x64xf32, #tpu.memory_space<hbm>>)
    %dma_wait3A_87 = arith.constant 0 : i32
    %dma_wait3A_88 = arith.constant 0 : i32
    %dma_wait3A_89 = tpu.memref_slice %arg7[%dma_wait3A_87, %dma_wait3A_88] : memref<128x128xf32, #tpu.memory_space<vmem>> -> memref<128x64xf32, #tpu.memory_space<vmem>>
    %dma_wait3A_90 = arith.constant 0 : i32
    %dma_wait3A_91 = tpu.memref_slice %arg4[%mul3A_2, %dma_wait3A_90] : memref<819200x64xf32, #tpu.memory_space<hbm>> -> memref<128x64xf32, #tpu.memory_space<hbm>>
    %dma_wait3A_92 = arith.constant 0 : i32
    %dma_wait3A_93 = tpu.memref_slice %arg4[%mul3A_2, %dma_wait3A_92] : memref<819200x64xf32, #tpu.memory_space<hbm>> -> memref<128x64xf32, #tpu.memory_space<hbm>>
    %dma_wait3A_94 = arith.constant 0 : i32
    %dma_wait3A_95 = arith.constant 0 : i32
    %dma_wait3A_96 = tpu.memref_slice %arg7[%dma_wait3A_94, %dma_wait3A_95] : memref<128x128xf32, #tpu.memory_space<vmem>> -> memref<128x64xf32, #tpu.memory_space<vmem>>
    tpu.wait_dma2 semaphore(%arg17 : memref<!tpu.dma_semaphore, #tpu.memory_space<semaphore_mem>>) src(%dma_wait3A_96 : memref<128x64xf32, #tpu.memory_space<vmem>>) dst(%dma_wait3A_93 : memref<128x64xf32, #tpu.memory_space<hbm>>)
    %dma_wait3A_97 = arith.constant 0 : i32
    %dma_wait3A_98 = arith.constant 0 : i32
    %dma_wait3A_99 = tpu.memref_slice %arg8[%dma_wait3A_97, %dma_wait3A_98] : memref<128x128xf32, #tpu.memory_space<vmem>> -> memref<128x64xf32, #tpu.memory_space<vmem>>
    %dma_wait3A_100 = arith.constant 0 : i32
    %dma_wait3A_101 = tpu.memref_slice %arg4[%mul3A_2, %dma_wait3A_100] : memref<819200x64xf32, #tpu.memory_space<hbm>> -> memref<128x64xf32, #tpu.memory_space<hbm>>
    %dma_wait3A_102 = arith.constant 0 : i32
    %dma_wait3A_103 = tpu.memref_slice %arg4[%mul3A_2, %dma_wait3A_102] : memref<819200x64xf32, #tpu.memory_space<hbm>> -> memref<128x64xf32, #tpu.memory_space<hbm>>
    %dma_wait3A_104 = arith.constant 0 : i32
    %dma_wait3A_105 = arith.constant 0 : i32
    %dma_wait3A_106 = tpu.memref_slice %arg8[%dma_wait3A_104, %dma_wait3A_105] : memref<128x128xf32, #tpu.memory_space<vmem>> -> memref<128x64xf32, #tpu.memory_space<vmem>>
    tpu.wait_dma2 semaphore(%arg18 : memref<!tpu.dma_semaphore, #tpu.memory_space<semaphore_mem>>) src(%dma_wait3A_106 : memref<128x64xf32, #tpu.memory_space<vmem>>) dst(%dma_wait3A_103 : memref<128x64xf32, #tpu.memory_space<hbm>>)
    %dma_wait3A_107 = arith.constant 0 : i32
    %dma_wait3A_108 = arith.constant 0 : i32
    %dma_wait3A_109 = tpu.memref_slice %arg9[%dma_wait3A_107, %dma_wait3A_108] : memref<128x128xf32, #tpu.memory_space<vmem>> -> memref<128x64xf32, #tpu.memory_space<vmem>>
    %dma_wait3A_110 = arith.constant 0 : i32
    %dma_wait3A_111 = tpu.memref_slice %arg4[%mul3A_2, %dma_wait3A_110] : memref<819200x64xf32, #tpu.memory_space<hbm>> -> memref<128x64xf32, #tpu.memory_space<hbm>>
    %dma_wait3A_112 = arith.constant 0 : i32
    %dma_wait3A_113 = tpu.memref_slice %arg4[%mul3A_2, %dma_wait3A_112] : memref<819200x64xf32, #tpu.memory_space<hbm>> -> memref<128x64xf32, #tpu.memory_space<hbm>>
    %dma_wait3A_114 = arith.constant 0 : i32
    %dma_wait3A_115 = arith.constant 0 : i32
    %dma_wait3A_116 = tpu.memref_slice %arg9[%dma_wait3A_114, %dma_wait3A_115] : memref<128x128xf32, #tpu.memory_space<vmem>> -> memref<128x64xf32, #tpu.memory_space<vmem>>
    tpu.wait_dma2 semaphore(%arg19 : memref<!tpu.dma_semaphore, #tpu.memory_space<semaphore_mem>>) src(%dma_wait3A_116 : memref<128x64xf32, #tpu.memory_space<vmem>>) dst(%dma_wait3A_113 : memref<128x64xf32, #tpu.memory_space<hbm>>)
    %dma_wait3A_117 = arith.constant 0 : i32
    %dma_wait3A_118 = arith.constant 0 : i32
    %dma_wait3A_119 = tpu.memref_slice %arg10[%dma_wait3A_117, %dma_wait3A_118] : memref<128x128xf32, #tpu.memory_space<vmem>> -> memref<128x64xf32, #tpu.memory_space<vmem>>
    %dma_wait3A_120 = arith.constant 0 : i32
    %dma_wait3A_121 = tpu.memref_slice %arg4[%mul3A_2, %dma_wait3A_120] : memref<819200x64xf32, #tpu.memory_space<hbm>> -> memref<128x64xf32, #tpu.memory_space<hbm>>
    %dma_wait3A_122 = arith.constant 0 : i32
    %dma_wait3A_123 = tpu.memref_slice %arg4[%mul3A_2, %dma_wait3A_122] : memref<819200x64xf32, #tpu.memory_space<hbm>> -> memref<128x64xf32, #tpu.memory_space<hbm>>
    %dma_wait3A_124 = arith.constant 0 : i32
    %dma_wait3A_125 = arith.constant 0 : i32
    %dma_wait3A_126 = tpu.memref_slice %arg10[%dma_wait3A_124, %dma_wait3A_125] : memref<128x128xf32, #tpu.memory_space<vmem>> -> memref<128x64xf32, #tpu.memory_space<vmem>>
    tpu.wait_dma2 semaphore(%arg20 : memref<!tpu.dma_semaphore, #tpu.memory_space<semaphore_mem>>) src(%dma_wait3A_126 : memref<128x64xf32, #tpu.memory_space<vmem>>) dst(%dma_wait3A_123 : memref<128x64xf32, #tpu.memory_space<hbm>>)
    return
  }
}

</mosaic_0001>

<sc_bundles>
// kernel: _lookup.3.cloned.1.call-start
scs
__scs_entry_jumppad:
0x0: {  	(pc) =	sbr.rel $0x88, $3  }
0x1: {  	(tag) =	ssettag $0x0;
	lr =	simm.s32 $0x1  }
0x2: {  	[smem:$0x3F9F] =	sst lr;
	_ =	strace $0xD0000000  }
0x3: {  	_ = 	snop  }
0x4: {  	_ = 	snop  }
0x5: {  	_ = 	snop  }
0x6: {  	_ = 	snop  }
0x7: {  	_ = 	snop  }
__scs_overlays_trampoline_lowered:
0x8: {  	[smem:$0x3FAE] =	sst s0  }
0x9: {  	[smem:$0x3FAF] =	sst s1  }
0xa: {  	[smem:$0x3FB0] =	sst s2  }
0xb: {  	[smem:$0x3FB1] =	sst s3  }
0xc: {  	[smem:$0x3FB2] =	sst s4  }
0xd: {  	[smem:$0x3FB3] =	sst s5  }
0xe: {  	[smem:$0x3FB4] =	sst s6  }
0xf: {  	[smem:$0x3FB5] =	sst s7  }
0x10: {  	[smem:$0x3FB6] =	sst s8  }
0x11: {  	[smem:$0x3FB7] =	sst s9;
	s0 =	simm.s32 @!p0 $0x0  }
0x12: {  	s1 =	sld [smem:$0x3F9D];
	s0 =	simm.s32 @p0 $0x1  }
0x13: {  	[smem:$0x3FB8] =	sst s0;
	s0 =	simm.s32 @!p1 $0x0  }
0x14: {  	s2 =	sld [smem:$0x3F9C];
	s0 =	simm.s32 @p1 $0x1  }
0x15: {  	[smem:$0x3FB9] =	sst s0;
	s0 =	simm.s32 @!p2 $0x0  }
0x16: {  	s3 =	sld [smem:$0x3FDB];
	s0 =	simm.s32 @p2 $0x1  }
0x17: {  	s4 =	simm.s32 $0x1BF5;
	[smem:$0x3FBB] =	sst s0  }
0x18: {  	s0 =	sld [smem:$0x3F9E];
	_ =	swait.ge [sflag:s4], $0x0  }
0x19: {  	s7 =	sld [smem:$0x3F9F]  }
0x1a: {  	s8 =	sadd.s32 $0xFFFFE003, lr  }
0x1b: {  	s9 =	sadd.s32 $0xFFFFFEF7, lr;
	s5 =	simm.s32 $0xFFFFFFFF;
	p2 =	slt.u32 s8, $0xFFFFF086  }
0x1c: {  	p1 =	slt.u32 s9, $0xF7A;
	s5 =	simm.s32 @!p2 $0x0  }
0x1d: {  	s5 =	simm.s32 @p1 $0x1;
	p0 =	seq.s32 s7, s2  }
0x1e: {  	s7 =	smul.u32 @!p0 $0xF7A, s2;
	p2 =	seq.s32 @!p0 s5, $0x0  }
0x1f: {  	s9 =	smul.u32 $0xF7A, s1;
	s8 =	simm.s32 @!p0 $0x1BF5;
	p2 =	por !p2, p0  }
0x20: {  	[sflag:s8] =	ssyncset.s32 @!p0 $0xFFFFF086;
	s6 =	sadd.s32 @!p0 s3, s7;
	s7 =	simm.s32 @!p0 $0x108  }
0x21: {  	s3 =	sadd.s32 s3, s9;
	s6 =	sadd.s32 @!p0 $0x88, s6;
	s7 =	simm.s32 @p2 $0x1082  }
0x22: {  	[simem:s7], [sflag:s8] =	dma.local @!p0 [hbm:s6], $0xF7A  }
0x23: {  	s9 =	sor.u32 $0xD0000000, s2;
	s6 =	simm.s32 $0x108;
	_ =	swait.ge @!p0 [sflag:s8], $0x0  }
0x24: {  	s3 =	sadd.s32 $0x88, s3;
	s6 =	simm.s32 @!p1 $0x1082;
	[sflag:s4] =	ssyncset.s32 $0xFFFFF086  }
0x25: {  	[simem:s6], [sflag:s4] =	dma.local [hbm:s3], $0xF7A  }
0x26: {  	[smem:$0x3F9F] =	sst s1;
	(tag) =	ssettag s2;
	_ =	strace s9  }
0x27: {  	s1 =	sld [smem:$0x3FAF]  }
0x28: {  	s2 =	sld [smem:$0x3FB0]  }
0x29: {  	s4 =	sld [smem:$0x3FB2]  }
0x2a: {  	p0 =	seq.s32 s5, $0x0;
	s5 =	sld [smem:$0x3FB3]  }
0x2b: {  	s6 =	sld [smem:$0x3FB4]  }
0x2c: {  	s7 =	sld [smem:$0x3FB5]  }
0x2d: {  	s3 =	simm.s32 $0x108;
	s8 =	sld [smem:$0x3FB6]  }
0x2e: {  	s3 =	simm.s32 @!p0 $0x1082;
	s9 =	sld [smem:$0x3FB7]  }
0x2f: {  	lr =	sadd.s32 s0, s3;
	s0 =	sld [smem:$0x3FAE]  }
0x30: {  	s3 =	sld [smem:$0x3FB1]  }
0x31: {  	[smem:$0x3FBA] =	sst s10  }
0x32: {  	s10 =	sld [smem:$0x3FB8];
	_ =	sdelay $0x3  }
0x33: {  	p0 =	seq.s32 s10, $0x1;
	s10 =	sld [smem:$0x3FBA];
	_ =	sdelay $0x3  }
0x34: {  	[smem:$0x3FBA] =	sst s10  }
0x35: {  	s10 =	sld [smem:$0x3FB9];
	_ =	sdelay $0x3  }
0x36: {  	p1 =	seq.s32 s10, $0x1;
	s10 =	sld [smem:$0x3FBA];
	_ =	sdelay $0x3  }
0x37: {  	[smem:$0x3FBA] =	sst s10  }
0x38: {  	s10 =	sld [smem:$0x3FBB]  }
0x39: {  	_ = 	snop;
	(pc) =	sbr.ind lr, $3  }
0x3a: {  	_ = 	snop  }
0x3b: {  	_ = 	snop  }
0x3c: {  	p2 =	seq.s32 s10, $0x1;
	s10 =	sld [smem:$0x3FBA]  }
0x3d: {  	_ =	shalt  }
0x3e: {  	_ =	shalt  }
0x3f: {  	_ =	shalt  }
0x40: {  	_ =	shalt  }
0x41: {  	_ =	shalt  }
0x42: {  	_ =	shalt  }
0x43: {  	_ =	shalt  }
0x44: {  	_ =	shalt  }
0x45: {  	_ =	shalt  }
0x46: {  	_ =	shalt  }
0x47: {  	_ =	shalt  }
0x48: {  	_ =	shalt  }
0x49: {  	_ =	shalt  }
0x4a: {  	_ =	shalt  }
0x4b: {  	_ =	shalt  }
0x4c: {  	_ =	shalt  }
0x4d: {  	_ =	shalt  }
0x4e: {  	_ =	shalt  }
0x4f: {  	_ =	shalt  }
0x50: {  	_ =	shalt  }
0x51: {  	_ =	shalt  }
0x52: {  	_ =	shalt  }
0x53: {  	_ =	shalt  }
0x54: {  	_ =	shalt  }
0x55: {  	_ =	shalt  }
0x56: {  	_ =	shalt  }
0x57: {  	_ =	shalt  }
0x58: {  	_ =	shalt  }
0x59: {  	_ =	shalt  }
0x5a: {  	_ =	shalt  }
0x5b: {  	_ =	shalt  }
0x5c: {  	_ =	shalt  }
0x5d: {  	_ =	shalt  }
0x5e: {  	_ =	shalt  }
0x5f: {  	_ =	shalt  }
0x60: {  	_ =	shalt  }
0x61: {  	_ =	shalt  }
0x62: {  	_ =	shalt  }
0x63: {  	_ =	shalt  }
0x64: {  	_ =	shalt  }
0x65: {  	_ =	shalt  }
0x66: {  	_ =	shalt  }
0x67: {  	_ =	shalt  }
0x68: {  	_ =	shalt  }
0x69: {  	_ =	shalt  }
0x6a: {  	_ =	shalt  }
0x6b: {  	_ =	shalt  }
0x6c: {  	_ =	shalt  }
0x6d: {  	_ =	shalt  }
0x6e: {  	_ =	shalt  }
0x6f: {  	_ =	shalt  }
0x70: {  	_ =	shalt  }
0x71: {  	_ =	shalt  }
0x72: {  	_ =	shalt  }
0x73: {  	_ =	shalt  }
0x74: {  	_ =	shalt  }
0x75: {  	_ =	shalt  }
0x76: {  	_ =	shalt  }
0x77: {  	_ =	shalt  }
0x78: {  	_ =	shalt  }
0x79: {  	_ =	shalt  }
0x7a: {  	_ =	shalt  }
0x7b: {  	_ =	shalt  }
0x7c: {  	_ =	shalt  }
0x7d: {  	_ =	shalt  }
0x7e: {  	_ =	shalt  }
0x7f: {  	_ =	shalt  }
0x80: {  	_ =	shalt  }
0x81: {  	_ =	shalt  }
0x82: {  	_ =	shalt  }
0x83: {  	_ =	shalt  }
0x84: {  	_ =	shalt  }
0x85: {  	_ =	shalt  }
0x86: {  	_ =	shalt  }
0x87: {  	_ =	shalt  }
.Lfunc_end0:
.L_simem_size_0:
called_computation.1_lowered:
.L_overlay_start_0:
0x88: {  	s2 =	sld [smem:$0x3FD9]  }
0x89: {  	s3 =	sld [smem:$0x3FFE];
	_ =	sdelay $0x1  }
0x8a: {  	s1 =	srdreg.scid  }
0x8b: {  	s0 =	sand.u32 $0x1, s1  }
0x8c: {  	s18 =	sshll.u32 s0, $0xA;
	s2 =	sadd.s32 s3, s2  }
0x8d: {  	s2 =	sadd.s32 s2, s18  }
0x8e: {  	[smem:$0x3FC6] =	sst s2  }
0x8f: {  	_ = 	snop  }
0x90: {  	s2 =	sld [smem:$0x3FC9]  }
0x91: {  	s19 =	sld [smem:$0x3FC8]  }
0x92: {  	s4 =	sld [smem:$0x3FD0];
	(tm) =	ssettm $0x1  }
0x93: {  	s5 =	sld [smem:$0x3FFB];
	_ =	sdelay $0x3  }
0x94: {  	_ =	strace s5  }
0x95: {  	s5 =	sld [smem:$0x3FFC];
	_ =	sdelay $0x3  }
0x96: {  	_ =	strace s5  }
0x97: {  	s5 =	sld [smem:$0x3FFD];
	_ =	sdelay $0x3  }
0x98: {  	_ =	strace s5  }
0x99: {  	_ =	strace $0x8FFFFFFF  }
0x9a: {  	s20 =	sld [smem:$0x3FDB];
	_ =	sdelay $0x1  }
0x9b: {  	s6 =	simm.s32 $_scs_section_size  }
0x9c: {  	s7 =	simm.s32 $_size__tile_overlayer_lowered;
	s8 =	simm.s32 $_tile_overlayer_lowered  }
0x9d: {  	s23 =	simm.s32 $0x1BFF;
	s22 =	sshll.u32 s8, $0x1;
	s5 =	sadd.s32 s6, s20  }
0x9e: {  	s9 =	simm.s32 $0x0;
	s21 =	sshll.u32 s7, $0x1;
	s7 =	sadd.s32 s22, s5  }
0x9f: {  	[timem:s9], [sflag:s23] =	dma.local [hbm:s7], s21  }
0xa0: {  	_ =	swait.ge [sflag:s23], s21  }
0xa1: {  	s6 =	ssub.s32 $0x0, s21;
	[sflag:s23] =	ssyncset.done $0x0  }
0xa2: {  	[sflag:s23] =	ssyncadd.s32 s6;
	_ =	sdelay $0x1  }
0xa3: {  	s24 =	simm.s32 $0x1B8B  }
0xa4: {  	_ =	swait.ge [sflag:s24], $0x1  }
0xa5: {  	[sflag:s24] =	ssyncset.done $0x0  }
0xa6: {  	s25 =	simm.s32 $0x1B8E;
	[sflag:s24] =	ssyncadd.s32 $0xFFFFFFFF  }
0xa7: {  	s26 =	simm.s32 $execute0_lowered;
	[smem:$0x3FD2] =	sst s25  }
0xa8: {  	s6 =	sshll.u32 s26, $0x1;
	_ =	strace $0x80000046;
	[dreg:$0x1] =	wrdreg $0xFFFFFFFF  }
0xa9: {  	s28 =	simm.s32 $_size_execute0_lowered;
	s5 =	sadd.s32 s5, s6;
	[dreg:$0x0] =	wrdreg $0x0  }
0xaa: {  	s6 =	sshll.u32 s28, $0x1;
	[dreg:$0x2] =	wrdreg s5  }
0xab: {  	[dreg:$0x3] =	wrdreg s6  }
0xac: {  	[dreg:$0x4] =	wrdreg $0xC0  }
0xad: {  	_ =	task [dreg:s9], $0x5FFFF  }
0xae: {  	[dreg:$0x1] =	wrdreg $0xFFFFFFFF  }
0xaf: {  	[dreg:$0x0] =	wrdreg $0x60  }
0xb0: {  	[dreg:$0x2] =	wrdreg s2  }
0xb1: {  	[dreg:$0x3] =	wrdreg s19  }
0xb2: {  	[dreg:$0x4] =	wrdreg s4  }
0xb3: {  	[dreg:$0x5] =	wrdreg $0x9  }
0xb4: {  	_ =	task.clear_ibuf [dreg:s9], $0x6FFFF;
	_ =	strace $0x90000046  }
0xb5: {  	s29 =	simm.s32 $0x9;
	_ =	strace $0x80000048  }
0xb6: {  	_ =	swait.ge [sflag:s29], $0x1  }
0xb7: {  	[sflag:s29] =	ssyncadd.s32 $0xFFFFFFFF  }
0xb8: {  	_ =	strace $0x90000048  }
0xb9: {  	_ =	sfence  }
0xba: {  	s30 =	sld [smem:$0x0];
	_ =	sdelay $0x2  }
0xbb: {  	s31 =	sshll.u32 s1, $0xD;
	s1 =	sshrl.u32 s1, $0x2  }
0xbc: {  	s3 =	sand.u32 $0x4000, s31;
	s1 =	sadd.s32 s1, s30  }
0xbd: {  	s0 =	sor.u32 s3, s0;
	s1 =	sshll.u32 s1, $0x11  }
0xbe: {  	s0 =	sor.u32 s1, s0  }
0xbf: {  	s0 =	sadd.s32 $0x8F2B, s0  }
0xc0: {  	[sflag:s0] =	ssyncadd.remote.s32 $0x1  }
0xc1: {  	_ =	sfence.sel $0xFFFF  }
0xc2: {  	[dreg:$0x0] =	wrdreg $0xFFFFFFFF;
	(pc) =	sbr.abs _section_cstart, $3  }
0xc3: {  	[dreg:$0x1] =	wrdreg $0xFFFFFFFF  }
0xc4: {  	_ =	task.clear_ibuf [dreg:s9], $0x2FFFF;
	_ =	strace $0x9FFFFFFF  }
0xc5: {  	(tm) =	ssettm $0x7FFFFFFF  }
tec
execute0_lowered:
.L_overlay_start_1:
0x0: {  	(tag) =	ssettag $0x1  }
0x1: {  	s0 =	rddreg [dreg:$0x0]  }
0x2: {  	s2 =	rddreg [dreg:$0x1];
	s1 =	srdreg.scid  }
0x3: {  	s4 =	stileid.u32;
	s3 =	rddreg [dreg:$0x2]  }
0x4: {  	s17 =	simm.s32 $0x80;
	s28 =	simm.s32 $0x3;
	s29 =	simm.s32 $0x4  }
0x5: {  	s30 =	simm.s32 $0x5;
	s31 =	simm.s32 $0x6;
	s15 =	simm.s32 $0xA  }
0x6: {  	s16 =	simm.s32 $0x0;
	s1 =	sand.u32 $0x1, s1;
	s4 =	sshll.u32 s4, $0x1  }
0x7: {  	s6 =	sor.u32 s1, s4;
	s4 =	simm.s32 $0x0;
	s1 =	ssub.s32 $0x2, s1  }
0x8: {  	s5 =	smul.u32 $0x6400, s6;
	[smem:$0x7FF] =	sst s4;
	s7 =	sshrl.u32 s1, $0x1  }
0x9: {  	s6 =	smul.u32 $0x190000, s6;
	_ =	strace $0x80000047;
	s1 =	ssub.s32 s1, s7  }
0xa: {  	s9 =	sshrl.u32 s5, $0x3;
	s25 =	sadd.s32 $0x3FFFE00, s5;
	s7 =	sadd.s32 $0x3FFFE80, s5  }
0xb: {  	s6 =	sshrl.u32 s6, $0x3;
	s8 =	sadd.s32 $0x3FFFF00, s5;
	s10 =	sadd.s32 $0x3FFFF80, s5  }
0xc: {  	s26 =	smax.u32 s1, $0x1;
	s1 =	simm.s32 $0x7;
	[dreg:$0x4] =	wrdreg s25  }
0xd: {  	s6 =	sadd.s32 s3, s6;
	s0 =	sadd.s32 s0, s9;
	[dreg:$0x6] =	wrdreg s26  }
0xe: {  	s25 =	simm.s32 $0x1;
	s26 =	simm.s32 $0x2;
	s9 =	simm.s32 $0x9  }
0xf: {  	[dreg:$0x5] =	wrdreg s0;
	s11 =	sadd.s32 $0x31000, s6;
	s12 =	sadd.s32 $0x31400, s6  }
0x10: {  	s13 =	sadd.s32 $0x31800, s6;
	s14 =	sadd.s32 $0x31C00, s6;
	s0 =	simm.s32 $0x8  }
.LBB2_1:
0x11: {  	[dreg:$0x7] =	wrdreg s16  }
0x12: {  	s6 =	rddreg [dreg:$0x5];
	s24 =	simm.s32 $0xB  }
0x13: {  	[tilespmem:s4], [sflag:$0xB] =	stream.linear.gather [hbm4b:s6+s4], $0x6400, $0x38;
	[tilespmem:$0x1A400] =	vst v63  }
0x14: {  	_ =	swait.ge [sflag:s24], $0x6400  }
0x15: {  	[sflag:s24] =	ssyncset.done $0x0  }
0x16: {  	s20 =	simm.s32 $0x0;
	[sflag:s24] =	ssyncadd.s32 $0xFFFF9C00  }
.LBB2_2:
0x17: {  	p0 =	seq.s32 s20, $0x0  }
.Ltmp0:
0x18: {  	_ = 	snop;
	(pc) =	sbr.rel @p0 .LBB2_25-.Ltmp0, $1  }
0x19: {  	_ =	sdelay $0x3  }
0x1a: {  	_ =	swait.ge [sflag:s31], $0x2000  }
0x1b: {  	s22 =	smul.u32 $0x280, s20;
	[sflag:s31] =	ssyncset.done $0x0  }
0x1c: {  	s6 =	simm.s32 $0x6400;
	s24 =	rddreg [dreg:$0x4];
	[sflag:s31] =	ssyncadd.s32 $0xFFFFE000  }
0x1d: {  	[tilespmem:s6], [sflag:$0x1] =	stream.indirect.gather [hbm4b:s2+s17], $0x80, s22, s17, $0xb8;
	[tilespmem:$0x1A400] =	vst v63  }
0x1e: {  	s6 =	sadd.s32 s22, s24  }
0x1f: {  	s6 =	sshll.u32 s6, $0x3  }
0x20: {  	s18 =	simm.s32 $0xA400;
	_ =	swait.ge [sflag:s26], $0x4000;
	s6 =	sand.u32 $0x1FFFFC00, s6  }
0x21: {  	s19 =	simm.s32 $0x8;
	[sflag:s26] =	ssyncset.done $0x0;
	s16 =	sadd.s32 s3, s6  }
0x22: {  	s21 =	simm.s32 $0xA480;
	[sflag:s26] =	ssyncadd.s32 $0xFFFFC000;
	s23 =	sadd.s32 $0x0, s16  }
.LBB2_4:
0x23: {  	[hbm4b:s23+s4] =	stream.linear.scatter [tilespmem:s18], [sflag:$0x7], $0x40, $0x38;
	[tilespmem:$0x1A400] =	vst v63  }
0x24: {  	s6 =	smov.u32 s19;
	s18 =	smov.u32 s21;
	p0 =	sne.s32 s19, $0x3F8  }
.Ltmp1:
0x25: {  	s19 =	sadd.s32 $0x8, s19;
	(pc) =	sbr.rel @p0 .LBB2_4-.Ltmp1, $2  }
0x26: {  	_ =	sdelay $0x2  }
0x27: {  	s21 =	sadd.s32 $0x80, s21;
	s23 =	sadd.s32 s6, s16  }
0x28: {  	[hbm4b:s23+s4] =	stream.linear.scatter [tilespmem:s18], [sflag:$0x7], $0x40, $0x38;
	[tilespmem:$0x1A400] =	vst v63  }
0x29: {  	s16 =	smul.u32 $0xA00, s20  }
0x2a: {  	_ =	swait.ge [sflag:s1], $0x2000  }
0x2b: {  	s19 =	simm.s32 $0xA400;
	[sflag:s1] =	ssyncset.done $0x0;
	s18 =	sshra.s32 s16, $0x2  }
0x2c: {  	s24 =	sadd.s32 s22, s7;
	[sflag:s1] =	ssyncadd.s32 $0xFFFFE000;
	s6 =	sadd.s32 $0x80, s18  }
0x2d: {  	[tilespmem:s19], [sflag:$0x2] =	stream.indirect.gather [hbm4b:s2+s17], $0x80, s6, s17, $0xb8;
	[tilespmem:$0x1A400] =	vst v63  }
0x2e: {  	s6 =	sshll.u32 s24, $0x3  }
0x2f: {  	s21 =	simm.s32 $0xE400;
	_ =	swait.ge [sflag:s28], $0x4000;
	s6 =	sand.u32 $0x1FFFFC00, s6  }
0x30: {  	s23 =	simm.s32 $0x8;
	[sflag:s28] =	ssyncset.done $0x0;
	s19 =	sadd.s32 s3, s6  }
0x31: {  	s24 =	simm.s32 $0xE480;
	[sflag:s28] =	ssyncadd.s32 $0xFFFFC000;
	s6 =	sadd.s32 $0x0, s19  }
.LBB2_6:
0x32: {  	[hbm4b:s6+s4] =	stream.linear.scatter [tilespmem:s21], [sflag:$0x8], $0x40, $0x38;
	[tilespmem:$0x1A400] =	vst v63  }
0x33: {  	s6 =	smov.u32 s23;
	s21 =	smov.u32 s24;
	p0 =	seq.s32 s23, $0x3F8  }
.Ltmp2:
0x34: {  	s23 =	sadd.s32 $0x8, s23;
	(pc) =	sbr.rel @!p0 .LBB2_6-.Ltmp2, $2  }
0x35: {  	_ =	sdelay $0x2  }
0x36: {  	s24 =	sadd.s32 $0x80, s24;
	s6 =	sadd.s32 s6, s19  }
0x37: {  	[hbm4b:s6+s4] =	stream.linear.scatter [tilespmem:s21], [sflag:$0x8], $0x40, $0x38;
	[tilespmem:$0x1A400] =	vst v63  }
0x38: {  	_ =	swait.ge [sflag:s0], $0x2000  }
0x39: {  	s23 =	sadd.s32 $0x100, s18;
	s24 =	sadd.s32 s22, s8;
	[sflag:s0] =	ssyncset.done $0x0  }
0x3a: {  	s19 =	simm.s32 $0xE400;
	s6 =	sshll.u32 s24, $0x3;
	[sflag:s0] =	ssyncadd.s32 $0xFFFFE000  }
0x3b: {  	[tilespmem:s19], [sflag:$0x3] =	stream.indirect.gather [hbm4b:s2+s17], $0x80, s23, s17, $0xb8;
	[tilespmem:$0x1A400] =	vst v63  }
0x3c: {  	s21 =	simm.s32 $0x12400;
	s6 =	sand.u32 $0x1FFFFC00, s6;
	_ =	swait.ge [sflag:s29], $0x4000  }
0x3d: {  	s24 =	simm.s32 $0x12480;
	s19 =	sadd.s32 s3, s6;
	[sflag:s29] =	ssyncset.done $0x0  }
0x3e: {  	s23 =	simm.s32 $0x8;
	s6 =	sadd.s32 $0x0, s19;
	[sflag:s29] =	ssyncadd.s32 $0xFFFFC000  }
.LBB2_8:
0x3f: {  	[hbm4b:s6+s4] =	stream.linear.scatter [tilespmem:s21], [sflag:$0x9], $0x40, $0x38;
	[tilespmem:$0x1A400] =	vst v63  }
0x40: {  	s6 =	smov.u32 s23;
	s21 =	smov.u32 s24;
	p0 =	sne.s32 s23, $0x3F8  }
.Ltmp3:
0x41: {  	s23 =	sadd.s32 $0x8, s23;
	(pc) =	sbr.rel @p0 .LBB2_8-.Ltmp3, $2  }
0x42: {  	_ =	sdelay $0x2  }
0x43: {  	s24 =	sadd.s32 $0x80, s24;
	s6 =	sadd.s32 s6, s19  }
0x44: {  	[hbm4b:s6+s4] =	stream.linear.scatter [tilespmem:s21], [sflag:$0x9], $0x40, $0x38;
	[tilespmem:$0x1A400] =	vst v63  }
0x45: {  	_ =	swait.ge [sflag:s9], $0x2000  }
0x46: {  	s21 =	sadd.s32 $0x180, s18;
	s24 =	sadd.s32 s22, s10;
	[sflag:s9] =	ssyncset.done $0x0  }
0x47: {  	s23 =	simm.s32 $0x12400;
	s6 =	sshll.u32 s24, $0x3;
	[sflag:s9] =	ssyncadd.s32 $0xFFFFE000  }
0x48: {  	[tilespmem:s23], [sflag:$0x4] =	stream.indirect.gather [hbm4b:s2+s17], $0x80, s21, s17, $0xb8;
	[tilespmem:$0x1A400] =	vst v63  }
0x49: {  	s19 =	simm.s32 $0x16400;
	s6 =	sand.u32 $0x1FFFFC00, s6;
	_ =	swait.ge [sflag:s30], $0x4000  }
0x4a: {  	s18 =	sadd.s32 s3, s6;
	s21 =	simm.s32 $0x8;
	[sflag:s30] =	ssyncset.done $0x0  }
0x4b: {  	s6 =	sadd.s32 $0x0, s18;
	s23 =	simm.s32 $0x16480;
	[sflag:s30] =	ssyncadd.s32 $0xFFFFC000  }
.LBB2_10:
0x4c: {  	[hbm4b:s6+s4] =	stream.linear.scatter [tilespmem:s19], [sflag:$0xA], $0x40, $0x38;
	[tilespmem:$0x1A400] =	vst v63  }
0x4d: {  	s6 =	smov.u32 s21;
	s19 =	smov.u32 s23;
	p0 =	sne.s32 s21, $0x3F8  }
.Ltmp4:
0x4e: {  	s21 =	sadd.s32 $0x8, s21;
	(pc) =	sbr.rel @p0 .LBB2_10-.Ltmp4, $2  }
0x4f: {  	_ =	sdelay $0x2  }
0x50: {  	s23 =	sadd.s32 $0x80, s23;
	s6 =	sadd.s32 s6, s18  }
.Ltmp5:
0x51: {  	(pc) =	sbr.rel .LBB2_12-.Ltmp5, $4  }
0x52: {  	[hbm4b:s6+s4] =	stream.linear.scatter [tilespmem:s19], [sflag:$0xA], $0x40, $0x38;
	[tilespmem:$0x1A400] =	vst v63  }
0x53: {  	_ =	swait.ge [sflag:s15], $0x2000  }
0x54: {  	[sflag:s15] =	ssyncset.done $0x0  }
0x55: {  	[sflag:s15] =	ssyncadd.s32 $0xFFFFE000  }
.LBB2_25:
0x56: {  	s16 =	simm.s32 $0x0;
	s6 =	simm.s32 $0x6400  }
0x57: {  	[tilespmem:s6], [sflag:$0x1] =	stream.indirect.gather [hbm4b:s2+s17], $0x80, s16, s17, $0xb8;
	[tilespmem:$0x1A400] =	vst v63  }
0x58: {  	s21 =	simm.s32 $0xA400  }
0x59: {  	[tilespmem:s21], [sflag:$0x2] =	stream.indirect.gather [hbm4b:s2+s17], $0x80, s17, s17, $0xb8;
	[tilespmem:$0x1A400] =	vst v63  }
0x5a: {  	s22 =	simm.s32 $0x100;
	s18 =	simm.s32 $0xE400  }
0x5b: {  	[tilespmem:s18], [sflag:$0x3] =	stream.indirect.gather [hbm4b:s2+s17], $0x80, s22, s17, $0xb8;
	[tilespmem:$0x1A400] =	vst v63  }
0x5c: {  	s23 =	simm.s32 $0x180;
	s24 =	simm.s32 $0x12400;
	s22 =	simm.s32 $0x0  }
0x5d: {  	[tilespmem:s24], [sflag:$0x4] =	stream.indirect.gather [hbm4b:s2+s17], $0x80, s23, s17, $0xb8;
	[tilespmem:$0x1A400] =	vst v63  }
.LBB2_12:
0x5e: {  	s6 =	sshra.s32 s16, $0x2  }
0x5f: {  	s23 =	simm.s32 $0x16400;
	s24 =	sadd.s32 s5, s22;
	s6 =	sadd.s32 $0x200, s6  }
0x60: {  	[tilespmem:s23], [sflag:$0x5] =	stream.indirect.gather [hbm4b:s2+s17], $0x80, s6, s17, $0xb8;
	[tilespmem:$0x1A400] =	vst v63  }
0x61: {  	s6 =	sshll.u32 s24, $0x3  }
0x62: {  	s18 =	simm.s32 $0x6400;
	_ =	swait.ge [sflag:s25], $0x4000;
	s6 =	sand.u32 $0x1FFFFC00, s6  }
0x63: {  	s19 =	simm.s32 $0x8;
	[sflag:s25] =	ssyncset.done $0x0;
	s16 =	sadd.s32 s3, s6  }
0x64: {  	s21 =	simm.s32 $0x6480;
	[sflag:s25] =	ssyncadd.s32 $0xFFFFC000;
	s6 =	sadd.s32 $0x0, s16  }
.LBB2_13:
0x65: {  	[hbm4b:s6+s4] =	stream.linear.scatter [tilespmem:s18], [sflag:$0x6], $0x40, $0x38;
	[tilespmem:$0x1A400] =	vst v63  }
0x66: {  	s6 =	smov.u32 s19;
	s18 =	smov.u32 s21;
	p0 =	sne.s32 s19, $0x3F8  }
.Ltmp6:
0x67: {  	s19 =	sadd.s32 $0x8, s19;
	(pc) =	sbr.rel @p0 .LBB2_13-.Ltmp6, $2  }
0x68: {  	_ =	sdelay $0x2  }
0x69: {  	s21 =	sadd.s32 $0x80, s21;
	s6 =	sadd.s32 s6, s16  }
0x6a: {  	s20 =	sadd.s32 $0x1, s20  }
0x6b: {  	p0 =	sne.s32 s20, $0x28  }
.Ltmp7:
0x6c: {  	_ = 	snop;
	(pc) =	sbr.rel @p0 .LBB2_2-.Ltmp7, $2  }
0x6d: {  	_ =	sdelay $0x2  }
0x6e: {  	[hbm4b:s6+s4] =	stream.linear.scatter [tilespmem:s18], [sflag:$0x6], $0x40, $0x38;
	[tilespmem:$0x1A400] =	vst v63  }
0x6f: {  	_ =	swait.ge [sflag:s26], $0x4000  }
0x70: {  	s16 =	simm.s32 $0xA400;
	s18 =	simm.s32 $0x8;
	[sflag:s26] =	ssyncset.done $0x0  }
0x71: {  	s6 =	sadd.s32 $0x0, s11;
	s19 =	simm.s32 $0xA480;
	[sflag:s26] =	ssyncadd.s32 $0xFFFFC000  }
.LBB2_16:
0x72: {  	[hbm4b:s6+s4] =	stream.linear.scatter [tilespmem:s16], [sflag:$0x7], $0x40, $0x38;
	[tilespmem:$0x1A400] =	vst v63  }
0x73: {  	s6 =	smov.u32 s18;
	s16 =	smov.u32 s19;
	p0 =	sne.s32 s18, $0x3F8  }
.Ltmp8:
0x74: {  	s18 =	sadd.s32 $0x8, s18;
	(pc) =	sbr.rel @p0 .LBB2_16-.Ltmp8, $2  }
0x75: {  	_ =	sdelay $0x2  }
0x76: {  	s19 =	sadd.s32 $0x80, s19;
	s6 =	sadd.s32 s6, s11  }
0x77: {  	[hbm4b:s6+s4] =	stream.linear.scatter [tilespmem:s16], [sflag:$0x7], $0x40, $0x38;
	[tilespmem:$0x1A400] =	vst v63  }
0x78: {  	_ =	swait.ge [sflag:s28], $0x4000  }
0x79: {  	s16 =	simm.s32 $0xE400;
	s18 =	simm.s32 $0x8;
	[sflag:s28] =	ssyncset.done $0x0  }
0x7a: {  	s6 =	sadd.s32 $0x0, s12;
	s19 =	simm.s32 $0xE480;
	[sflag:s28] =	ssyncadd.s32 $0xFFFFC000  }
.LBB2_18:
0x7b: {  	[hbm4b:s6+s4] =	stream.linear.scatter [tilespmem:s16], [sflag:$0x8], $0x40, $0x38;
	[tilespmem:$0x1A400] =	vst v63  }
0x7c: {  	s6 =	smov.u32 s18;
	s16 =	smov.u32 s19;
	p0 =	sne.s32 s18, $0x3F8  }
.Ltmp9:
0x7d: {  	s18 =	sadd.s32 $0x8, s18;
	(pc) =	sbr.rel @p0 .LBB2_18-.Ltmp9, $2  }
0x7e: {  	_ =	sdelay $0x2  }
0x7f: {  	s19 =	sadd.s32 $0x80, s19;
	s6 =	sadd.s32 s6, s12  }
0x80: {  	[hbm4b:s6+s4] =	stream.linear.scatter [tilespmem:s16], [sflag:$0x8], $0x40, $0x38;
	[tilespmem:$0x1A400] =	vst v63  }
0x81: {  	_ =	swait.ge [sflag:s29], $0x4000  }
0x82: {  	s16 =	simm.s32 $0x12400;
	s18 =	simm.s32 $0x8;
	[sflag:s29] =	ssyncset.done $0x0  }
0x83: {  	s6 =	sadd.s32 $0x0, s13;
	s19 =	simm.s32 $0x12480;
	[sflag:s29] =	ssyncadd.s32 $0xFFFFC000  }
.LBB2_20:
0x84: {  	[hbm4b:s6+s4] =	stream.linear.scatter [tilespmem:s16], [sflag:$0x9], $0x40, $0x38;
	[tilespmem:$0x1A400] =	vst v63  }
0x85: {  	s6 =	smov.u32 s18;
	s16 =	smov.u32 s19;
	p0 =	sne.s32 s18, $0x3F8  }
.Ltmp10:
0x86: {  	s18 =	sadd.s32 $0x8, s18;
	(pc) =	sbr.rel @p0 .LBB2_20-.Ltmp10, $2  }
0x87: {  	_ =	sdelay $0x2  }
0x88: {  	s19 =	sadd.s32 $0x80, s19;
	s6 =	sadd.s32 s6, s13  }
0x89: {  	[hbm4b:s6+s4] =	stream.linear.scatter [tilespmem:s16], [sflag:$0x9], $0x40, $0x38;
	[tilespmem:$0x1A400] =	vst v63  }
0x8a: {  	_ =	swait.ge [sflag:s30], $0x4000  }
0x8b: {  	s16 =	simm.s32 $0x16400;
	s18 =	simm.s32 $0x8;
	[sflag:s30] =	ssyncset.done $0x0  }
0x8c: {  	s6 =	sadd.s32 $0x0, s14;
	s19 =	simm.s32 $0x16480;
	[sflag:s30] =	ssyncadd.s32 $0xFFFFC000  }
.LBB2_22:
0x8d: {  	[hbm4b:s6+s4] =	stream.linear.scatter [tilespmem:s16], [sflag:$0xA], $0x40, $0x38;
	[tilespmem:$0x1A400] =	vst v63  }
0x8e: {  	s6 =	smov.u32 s18;
	s16 =	smov.u32 s19;
	p0 =	sne.s32 s18, $0x3F8  }
.Ltmp11:
0x8f: {  	s18 =	sadd.s32 $0x8, s18;
	(pc) =	sbr.rel @p0 .LBB2_22-.Ltmp11, $2  }
0x90: {  	_ =	sdelay $0x2  }
0x91: {  	s19 =	sadd.s32 $0x80, s19;
	s6 =	sadd.s32 s6, s14  }
0x92: {  	[hbm4b:s6+s4] =	stream.linear.scatter [tilespmem:s16], [sflag:$0xA], $0x40, $0x38;
	[tilespmem:$0x1A400] =	vst v63  }
0x93: {  	_ =	swait.ge [sflag:s31], $0x2000  }
0x94: {  	[sflag:s31] =	ssyncset.done $0x0  }
0x95: {  	[sflag:s31] =	ssyncadd.s32 $0xFFFFE000  }
0x96: {  	_ =	swait.ge [sflag:s1], $0x2000  }
0x97: {  	[sflag:s1] =	ssyncset.done $0x0  }
0x98: {  	[sflag:s1] =	ssyncadd.s32 $0xFFFFE000  }
0x99: {  	_ =	swait.ge [sflag:s0], $0x2000  }
0x9a: {  	[sflag:s0] =	ssyncset.done $0x0  }
0x9b: {  	[sflag:s0] =	ssyncadd.s32 $0xFFFFE000  }
0x9c: {  	_ =	swait.ge [sflag:s9], $0x2000  }
0x9d: {  	[sflag:s9] =	ssyncset.done $0x0  }
0x9e: {  	[sflag:s9] =	ssyncadd.s32 $0xFFFFE000  }
0x9f: {  	_ =	swait.ge [sflag:s15], $0x2000  }
0xa0: {  	s23 =	rddreg [dreg:$0x7]  }
0xa1: {  	s24 =	rddreg [dreg:$0x6];
	s16 =	sadd.s32 $0x1, s23  }
0xa2: {  	p0 =	sne.s32 s16, s24  }
.Ltmp12:
0xa3: {  	_ = 	snop;
	(pc) =	sbr.rel @p0 .LBB2_1-.Ltmp12, $3  }
0xa4: {  	_ =	sdelay $0x1  }
0xa5: {  	[sflag:s15] =	ssyncset.done $0x0  }
0xa6: {  	[sflag:s15] =	ssyncadd.s32 $0xFFFFE000  }
0xa7: {  	_ =	sfence.sel $0x180000  }
0xa8: {  	[bflag:$0x0] =	sbarrier.arrive $0xFFFF  }
0xa9: {  	_ =	strace $0x90000047  }
0xaa: {  	s0 =	stileid.u32;
	[bflag:$0x2] =	sbarrier.arrive $0xFFFF  }
0xab: {  	p0 =	sne.s32 s0, $0x0;
	s0 =	rddreg [dreg:$0x3]  }
0xac: {  	s0 =	sadd.s32 @!p0 $0x100000, s0  }
0xad: {  	[sflag:s0] =	ssyncadd.tile.s32 @!p0 $0x1;
	_ =	shalt  }
.Lfunc_end2:
_tile_overlayer_lowered:
.L_overlay_start_2:
0xae: {  	(tag) =	ssettag $0x2  }
0xaf: {  	s0 =	rddreg [dreg:$0x0];
	s2 =	stileid.u32  }
0xb0: {  	s1 =	rddreg [dreg:$0x1];
	p0 =	sne.s32 s2, $0x0  }
0xb1: {  	s3 =	rddreg [dreg:$0x2];
	[bflag:$0x3] =	sbarrier.arrive $0xFFFF;
	s2 =	simm.s32 @!p0 $0x1C0B  }
0xb2: {  	[timem:s3], [sflag:s2] =	dma.local @!p0 [hbm:s0], s1  }
0xb3: {  	s0 =	simm.s32 @!p0 $0xB  }
0xb4: {  	_ =	swait.ge @!p0 [sflag:s0], s1  }
0xb5: {  	s1 =	ssub.s32 @!p0 $0x0, s1;
	[sflag:s0] =	ssyncset.done @!p0 $0x0  }
0xb6: {  	[sflag:s0] =	ssyncadd.s32 @!p0 s1  }
0xb7: {  	[bflag:$0x3] =	sbarrier.arrive $0xFFFF  }
0xb8: {  	_ =	shalt  }

// kernel: sparse-core-data-format-call.cloned.1.call-start
scs
called_computation_lowered:
.L_overlay_start_0:
0x0: {  	s2 =	sld [smem:$0x3FD9]  }
0x1: {  	s3 =	sld [smem:$0x3FFE];
	_ =	sdelay $0x1  }
0x2: {  	s1 =	srdreg.scid  }
0x3: {  	s0 =	sand.u32 $0x1, s1  }
0x4: {  	s18 =	sshll.u32 s0, $0xA;
	s2 =	sadd.s32 s3, s2  }
0x5: {  	s2 =	sadd.s32 s2, s18  }
0x6: {  	[smem:$0x3FC6] =	sst s2  }
0x7: {  	_ = 	snop  }
0x8: {  	s2 =	sld [smem:$0x3FD0];
	(tm) =	ssettm $0x1  }
0x9: {  	s19 =	sld [smem:$0x3FFB];
	_ =	sdelay $0x3  }
0xa: {  	_ =	strace s19  }
0xb: {  	s3 =	sld [smem:$0x3FFC];
	_ =	sdelay $0x3  }
0xc: {  	_ =	strace s3  }
0xd: {  	s3 =	sld [smem:$0x3FFD];
	_ =	sdelay $0x3  }
0xe: {  	_ =	strace s3  }
0xf: {  	_ =	strace $0x8FFFFFFF  }
0x10: {  	s20 =	sld [smem:$0x3FDB];
	_ =	sdelay $0x1  }
0x11: {  	s4 =	simm.s32 $_scs_section_size  }
0x12: {  	s5 =	simm.s32 $_size__tile_overlayer_lowered;
	s6 =	simm.s32 $_tile_overlayer_lowered  }
0x13: {  	s23 =	simm.s32 $0x1BFF;
	s22 =	sshll.u32 s6, $0x1;
	s3 =	sadd.s32 s4, s20  }
0x14: {  	s7 =	simm.s32 $0x0;
	s21 =	sshll.u32 s5, $0x1;
	s5 =	sadd.s32 s22, s3  }
0x15: {  	[timem:s7], [sflag:s23] =	dma.local [hbm:s5], s21  }
0x16: {  	_ =	swait.ge [sflag:s23], s21  }
0x17: {  	s4 =	ssub.s32 $0x0, s21;
	[sflag:s23] =	ssyncset.done $0x0  }
0x18: {  	[sflag:s23] =	ssyncadd.s32 s4;
	_ =	sdelay $0x1  }
0x19: {  	s24 =	simm.s32 $0x1B8B  }
0x1a: {  	_ =	swait.ge [sflag:s24], $0x1  }
0x1b: {  	[sflag:s24] =	ssyncset.done $0x0  }
0x1c: {  	s26 =	simm.s32 $0x1B8E;
	s25 =	sld [smem:$0x3FFE];
	[sflag:s24] =	ssyncadd.s32 $0xFFFFFFFF  }
0x1d: {  	s27 =	simm.s32 $execute0_lowered;
	[smem:$0x3FD2] =	sst s26  }
0x1e: {  	s5 =	sshll.u32 s27, $0x1;
	_ =	strace $0x80000049;
	[dreg:$0x1] =	wrdreg $0xFFFFFFFF  }
0x1f: {  	s28 =	simm.s32 $_size_execute0_lowered;
	s3 =	sadd.s32 s3, s5;
	[dreg:$0x0] =	wrdreg $0x0  }
0x20: {  	s5 =	sshll.u32 s28, $0x1;
	[dreg:$0x2] =	wrdreg s3  }
0x21: {  	[dreg:$0x3] =	wrdreg s5  }
0x22: {  	[dreg:$0x4] =	wrdreg $0xC0  }
0x23: {  	_ =	task [dreg:s7], $0x5FFFF  }
0x24: {  	[dreg:$0x1] =	wrdreg $0xFFFFFFFF  }
0x25: {  	[dreg:$0x0] =	wrdreg $0x60  }
0x26: {  	[dreg:$0x2] =	wrdreg s25  }
0x27: {  	[dreg:$0x3] =	wrdreg s2  }
0x28: {  	[dreg:$0x4] =	wrdreg $0x9  }
0x29: {  	_ =	task.clear_ibuf [dreg:s7], $0x5FFFF;
	_ =	strace $0x90000049  }
0x2a: {  	s29 =	simm.s32 $0x9;
	_ =	strace $0x8000004B  }
0x2b: {  	_ =	swait.ge [sflag:s29], $0x1  }
0x2c: {  	[sflag:s29] =	ssyncadd.s32 $0xFFFFFFFF  }
0x2d: {  	_ =	strace $0x9000004B  }
0x2e: {  	_ =	sfence  }
0x2f: {  	s30 =	sld [smem:$0x0];
	_ =	sdelay $0x2  }
0x30: {  	s31 =	sshll.u32 s1, $0xD;
	s1 =	sshrl.u32 s1, $0x2  }
0x31: {  	s3 =	sand.u32 $0x4000, s31;
	s1 =	sadd.s32 s1, s30  }
0x32: {  	s0 =	sor.u32 s3, s0;
	s1 =	sshll.u32 s1, $0x11  }
0x33: {  	s0 =	sor.u32 s1, s0  }
0x34: {  	s0 =	sadd.s32 $0x8F2B, s0  }
0x35: {  	[sflag:s0] =	ssyncadd.remote.s32 $0x1  }
0x36: {  	_ =	sfence.sel $0xFFFF  }
0x37: {  	[dreg:$0x0] =	wrdreg $0xFFFFFFFF;
	(pc) =	sbr.abs _section_cstart, $3  }
0x38: {  	[dreg:$0x1] =	wrdreg $0xFFFFFFFF  }
0x39: {  	_ =	task.clear_ibuf [dreg:s7], $0x2FFFF;
	_ =	strace $0x9FFFFFFF  }
0x3a: {  	(tm) =	ssettm $0x7FFFFFFF  }
0x3b: {  	_ =	shalt  }
tec
execute0_lowered:
.L_overlay_start_1:
0x0: {  	(tag) =	ssettag $0x1  }
0x1: {  	s0 =	srdreg.scid  }
0x2: {  	s1 =	sshll.u32 s0, $0x4  }
0x3: {  	s4 =	rddreg [dreg:$0x0];
	s0 =	stileid.u32;
	s1 =	sand.u32 $0x10, s1  }
0x4: {  	s2 =	rddreg [dreg:$0x1];
	s7 =	simm.s32 $0x1;
	s1 =	sor.u32 s0, s1  }
0x5: {  	s8 =	simm.s32 $0x2;
	s11 =	simm.s32 $0x0;
	s3 =	sshll.u32 s1, $0x7  }
0x6: {  	s10 =	simm.s32 $0x0;
	s4 =	sadd.s32 $0x800, s4;
	s6 =	ssub.s32 $0xC8000, s3  }
.Ltmp0:
0x7: {  	s1 =	rddreg [dreg:$0x2];
	s5 =	sand.u32 $0xF80, s6;
	(pc) =	sbr.rel .LBB1_1-.Ltmp0, $4  }
0x8: {  	_ =	strace $0x8000004A;
	s9 =	smov.u32 s3;
	p0 =	sne.s32 s5, $0x0  }
0x9: {  	s6 =	sshrl.u32 s6, $0xC;
	s5 =	simm.s32 $0x1;
	s7 =	simm.s32 @!p0 $0x0  }
0xa: {  	[sflag:s5] =	ssyncpa.u1 $0x0;
	p0 =	por $0x0, $0x0;
	s6 =	sadd.s32 s7, s6  }
0xb: {  	[sflag:s8] =	ssyncpa.u1 $0x0;
	s8 =	simm.s32 $0x640000;
	s7 =	sadd.s32 $0x1, s6  }
.LBB1_4:
0xc: {  	s14 =	sshll.u32 s11, $0x3  }
0xd: {  	s30 =	sand.u32 $0x7F, s11;
	s15 =	sand.u32 $0xFFFFFC00, s14  }
0xe: {  	s11 =	sor.u32 s30, s15  }
0xf: {  	s15 =	smulhi.u32 $0x51EB851F, s11  }
0x10: {  	s14 =	smulhi.u32 $0x51EB851F, s14  }
0x11: {  	s15 =	sshrl.u32 s15, $0x12  }
0x12: {  	s14 =	sshrl.u32 s14, $0x12;
	s15 =	smul.u32 $0xC8000, s15  }
0x13: {  	s14 =	sand.u32 $0x3F, s14  }
0x14: {  	s14 =	smul.u32 $0x19000, s14;
	s11 =	ssub.s32 s11, s15  }
0x15: {  	[tilespmem:s13+$0x810 ss:$0x81] =	vst.msk $0xffff, v2;
	s15 =	sand.u32 $0x7, s11  }
0x16: {  	[tilespmem:s13+$0x1020 ss:$0x81] =	vst.msk $0xffff, v0;
	s14 =	sadd.s32 s2, s14;
	s11 =	sshrl.u32 s11, $0x3;
	s15 =	sshll.u32 s15, $0x12  }
0x17: {  	[tilespmem:s13+$0x0 ss:$0x81] =	vst.msk $0xffff, v1;
	s11 =	sadd.s32 s11, s14;
	s31 =	sor.u32 $0x400, s15  }
0x18: {  	[hbm4b:s11+s31] =	stream.strided.scatter [tilespmem:s12], [sflag:$0x2], $0x2000, s8, s31, $0x20;
	[tilespmem:$0x8080] =	vst v63  }
.LBB1_5:
0x19: {  	s13 =	sadd.s32 $0x1000, s9  }
0x1a: {  	p2 =	sgt.s32 s13, $0xC7FFF  }
0x1b: {  	s13 =	smov.u32 @p2 s3;
	p2 =	sne.s32 s10, s7  }
.Ltmp1:
0x1c: {  	p1 =	slt.u32 s10, $0x2;
	(pc) =	sbr.rel @!p2 .LBB1_6-.Ltmp1, $4  }
0x1d: {  	s12 =	simm.s32 @!p1 $0x2  }
0x1e: {  	s14 =	sadd.s32 $0x1, s10;
	_ =	swait.ge @!p1 [sflag:s12], $0x2000  }
0x1f: {  	s11 =	smov.u32 s9;
	p0 =	por !p0, !p0;
	[sflag:s12] =	ssyncset.done @!p1 $0x0  }
0x20: {  	s10 =	smov.u32 s14;
	s9 =	smov.u32 s13;
	[sflag:s12] =	ssyncadd.s32 @!p1 $0xFFFFE000  }
.LBB1_1:
0x21: {  	p1 =	sge.u32 s10, s6  }
0x22: {  	s12 =	sand.u32 @!p1 $0x1FFFFFF, s9  }
0x23: {  	s13 =	smulhi.u32 @!p1 $0x147AE15, s12;
	_ =	sdelay $0x1  }
0x24: {  	s13 =	sshrl.u32 @!p1 s13, $0xC  }
0x25: {  	s13 =	smul.u32 @!p1 $0xC8000, s13;
	_ =	sdelay $0x1  }
0x26: {  	s31 =	sadd.s32 $0xFFFFFFFF, s10;
	s14 =	sxor.u32 @!p1 $0xFFFFFFFF, s10;
	s12 =	ssub.s32 @!p1 s12, s13  }
0x27: {  	s15 =	simm.s32 @!p1 $0x80;
	s14 =	sshll.u32 @!p1 s14, $0xD;
	s12 =	sshll.u32 @!p1 s12, $0x4  }
0x28: {  	s13 =	sand.u32 @!p1 $0x2000, s14;
	s14 =	simm.s32 @!p1 $0x40;
	s12 =	sadd.s32 @!p1 s4, s12  }
0x29: {  	[tilespmem:s13], [sflag:$0x1] =	stream.strided.gather @!p1 [hbm4b:s12+s14], $0x2000, s15, s14, $0x38;
	[tilespmem:$0x8080] =	vst v63  }
0x2a: {  	p1 =	sge.u32 s31, s6  }
.Ltmp2:
0x2b: {  	_ = 	snop;
	(pc) =	sbr.rel @p1 .LBB1_5-.Ltmp2, $1  }
0x2c: {  	_ =	sdelay $0x3  }
0x2d: {  	s12 =	simm.s32 $0x1  }
0x2e: {  	_ =	swait.ge [sflag:s5], $0x2000;
	s12 =	simm.s32 @!p0 $0x0  }
0x2f: {  	[sflag:s5] =	ssyncset.done $0x0;
	s13 =	sshll.u32 s12, $0xD  }
0x30: {  	[sflag:s5] =	ssyncadd.s32 $0xFFFFE000;
	s16 =	sor.u32 $0x20, s13  }
0x31: {  	s12 =	smul.u32 $0x8100, s12;
	v3 =	vld [tilespmem:s16+$0x10]  }
0x32: {  	s30 =	sand.u32 $0x1, s10;
	v2 =	vld [tilespmem:s16+$0xFFFFFFF0]  }
0x33: {  	s13 =	smul.u32 $0x8100, s30;
	s12 =	sshrl.u32 s12, $0x2;
	v0 =	vld [tilespmem:s16+$0x0]  }
0x34: {  	v1 =	vld [tilespmem:s16+$0xFFFFFFE0];
	s14 =	sor.u32 $0x4000, s12  }
0x35: {  	s31 =	sshrl.u32 s13, $0x2;
	s13 =	sadd.s32 $0x0, s14  }
0x36: {  	s15 =	simm.s32 $0x4;
	s16 =	sadd.s32 $0x40, s16;
	s12 =	sor.u32 $0x4000, s31;
	[tilespmem:s13+$0x1830 ss:$0x81] =	vst.msk $0xffff, v3  }
.LBB1_3:
0x37: {  	v3 =	vld [tilespmem:s16+$0x10];
	p1 =	sne.s32 s15, $0x1FC;
	[tilespmem:s13+$0x810 ss:$0x81] =	vst.msk $0xffff, v2;
	s17 =	smov.u32 s15;
	s15 =	sadd.s32 $0x4, s15  }
.Ltmp3:
0x38: {  	v2 =	vld [tilespmem:s16+$0xFFFFFFF0];
	[tilespmem:s13+$0x1020 ss:$0x81] =	vst.msk $0xffff, v0;
	(pc) =	sbr.rel @p1 .LBB1_3-.Ltmp3, $4  }
0x39: {  	v0 =	vld [tilespmem:s16+$0x0];
	[tilespmem:s13+$0x0 ss:$0x81] =	vst.msk $0xffff, v1  }
0x3a: {  	s13 =	sshra.s32 s17, $0x2;
	v1 =	vld [tilespmem:s16+$0xFFFFFFE0]  }
0x3b: {  	s13 =	sadd.s32 s13, s14  }
0x3c: {  	s16 =	sadd.s32 $0x40, s16;
	[tilespmem:s13+$0x1830 ss:$0x81] =	vst.msk $0xffff, v3  }
.Ltmp4:
0x3d: {  	_ = 	snop;
	(pc) =	sbr.rel .LBB1_4-.Ltmp4, $1  }
0x3e: {  	_ =	sdelay $0x3  }
.LBB1_6:
0x3f: {  	_ =	sfence.sel $0x180000  }
0x40: {  	s2 =	simm.s32 $0x1;
	[bflag:$0x0] =	sbarrier.arrive $0xFFFF  }
0x41: {  	s31 =	simm.s32 $0x2;
	[sflag:s2] =	ssyncpa.u1 $0x1  }
0x42: {  	[sflag:s31] =	ssyncpa.u1 $0x1  }
0x43: {  	p0 =	sne.s32 s0, $0x0;
	_ =	strace $0x9000004A  }
0x44: {  	s0 =	sadd.s32 @!p0 $0x100000, s1;
	[bflag:$0x2] =	sbarrier.arrive $0xFFFF  }
0x45: {  	[sflag:s0] =	ssyncadd.tile.s32 @!p0 $0x1;
	_ =	shalt  }
.Lfunc_end1:
_tile_overlayer_lowered:
.L_overlay_start_2:
0x46: {  	(tag) =	ssettag $0x2  }
0x47: {  	s0 =	rddreg [dreg:$0x0];
	s2 =	stileid.u32  }
0x48: {  	s1 =	rddreg [dreg:$0x1];
	p0 =	sne.s32 s2, $0x0  }
0x49: {  	s3 =	rddreg [dreg:$0x2];
	[bflag:$0x3] =	sbarrier.arrive $0xFFFF;
	s2 =	simm.s32 @!p0 $0x1C01  }
0x4a: {  	[timem:s3], [sflag:s2] =	dma.local @!p0 [hbm:s0], s1  }
0x4b: {  	s0 =	simm.s32 @!p0 $0x1  }
0x4c: {  	_ =	swait.ge @!p0 [sflag:s0], s1  }
0x4d: {  	s1 =	ssub.s32 @!p0 $0x0, s1;
	[sflag:s0] =	ssyncset.done @!p0 $0x0  }
0x4e: {  	[sflag:s0] =	ssyncadd.s32 @!p0 s1  }
0x4f: {  	[bflag:$0x3] =	sbarrier.arrive $0xFFFF  }
0x50: {  	_ =	shalt  }

</sc_bundles>
